<compile_context>
chip_gen: v7x
topology: tpu7x:2x2x1
jax: 0.10.2.dev20260603
libtpu: 0.0.44.dev20260713+nightly
codegen_flags: <defaults>
</compile_context>

<pallas_src>
import functools

import jax
import jax.numpy as jnp
from jax import lax
from jax.experimental import pallas as pl
from jax.experimental.pallas import tpu as pltpu
from jax.experimental.pallas import tpu_sc as plsc

NSEG = 512
N = 320000
D = 128
DV = D // 16

R0 = 94720

BLK = 1280
NBLK = R0 // BLK

NW = 32
NSC = N - R0
ROWS_W = NSC // NW
C = 128
NCHUNK = ROWS_W // C
NS = 6
ZR = NSEG // 16


def _sc_body(x_hbm, b2d_hbm, out_hbm, xbuf, ids, zbuf, shared, sems, ssems):
    cid = lax.axis_index("c")
    sid = lax.axis_index("s")
    wid = sid * 2 + cid
    base = R0 + wid * ROWS_W

    def dma_x(k, s):
        return pltpu.make_async_copy(
            x_hbm.at[pl.ds(base + k * C, C)], xbuf.at[s], sems.at[s]
        )

    def scat(k, s):
        return pltpu.make_async_copy(
            xbuf.at[s], shared.at[ids.at[k]], ssems.at[s]
        )

    idcp = pltpu.make_async_copy(b2d_hbm.at[wid], ids, sems.at[NS])
    idcp.start()

    zero = jnp.zeros((16,), jnp.float32)

    def zrow(r, carry):
        row = zbuf.at[r]
        for j in range(DV):
            row[pl.ds(16 * j, 16)] = zero
        return carry

    lax.fori_loop(0, ZR, zrow, 0)
    pltpu.sync_copy(zbuf, shared.at[pl.ds(sid * ZR, ZR)])
    plsc.subcore_barrier()

    for s in range(NS):
        dma_x(s, s).start()
    idcp.wait()

    def ring(q, carry):
        for s in range(NS):
            k = NS * q + s
            dma_x(k, s).wait()
            scat(k, s).start(add=True)
        for s in range(NS):
            k = NS * q + s
            scat(k, s).wait()

            @pl.when(k + NS < NCHUNK)
            def _(k=k, s=s):
                dma_x(k + NS, s).start()

        return carry

    lax.fori_loop(0, NCHUNK // NS, ring, 0)
    for r in range(NCHUNK % NS):
        k = (NCHUNK // NS) * NS + r
        dma_x(k, r).wait()
        scat(k, r).start(add=True)
    for r in range(NCHUNK % NS):
        k = (NCHUNK // NS) * NS + r
        scat(k, r).wait()

    plsc.subcore_barrier()
    pltpu.sync_copy(
        shared.at[pl.ds(sid * ZR, ZR)],
        out_hbm.at[cid].at[pl.ds(sid * ZR, ZR)],
    )


def _tc_body(batch_ref, x_ref, out_ref):
    i = pl.program_id(0)
    b = batch_ref[0, 0, :]
    onehot = (
        jax.lax.broadcasted_iota(jnp.int32, (NSEG, BLK), 0) == b[None, :]
    ).astype(jnp.float32)
    part = jax.lax.dot_general(
        onehot, x_ref[...], (((1,), (0,)), ((), ())),
        preferred_element_type=jnp.float32,
    )

    @pl.when(i == 0)
    def _():
        out_ref[...] = part

    @pl.when(i > 0)
    def _():
        out_ref[...] += part


def _combine_body(t_ref, p_ref, o_ref):
    o_ref[...] = t_ref[...] + p_ref[0] + p_ref[1]


def kernel(x, batch):
    b32 = batch.astype(jnp.int32)
    b2d = b32[R0:].reshape(NW, NCHUNK, C)
    batch3 = b32.reshape(N // BLK, 1, BLK)

    sc = pl.kernel(
        _sc_body,
        out_type=jax.ShapeDtypeStruct((2, NSEG, D), jnp.float32),
        mesh=plsc.VectorSubcoreMesh(core_axis_name="c", subcore_axis_name="s"),
        scratch_types=[
            pltpu.VMEM((NS, C, D), jnp.float32),
            pltpu.VMEM((NCHUNK, C), jnp.int32),
            pltpu.VMEM((ZR, D), jnp.float32),
            pltpu.VMEM_SHARED((NSEG, D), jnp.float32),
            pltpu.SemaphoreType.DMA((NS + 1,)),
            pltpu.SemaphoreType.DMA((NS,)),
        ],
    )
    partials = sc(x, b2d)

    tcp = pl.pallas_call(
        _tc_body,
        grid=(NBLK,),
        in_specs=[
            pl.BlockSpec((1, 1, BLK), lambda i: (i, 0, 0)),
            pl.BlockSpec((BLK, D), lambda i: (i, 0)),
        ],
        out_specs=pl.BlockSpec((NSEG, D), lambda i: (0, 0)),
        out_shape=jax.ShapeDtypeStruct((NSEG, D), jnp.float32),
    )(batch3, x)

    out = pl.pallas_call(
        _combine_body,
        out_shape=jax.ShapeDtypeStruct((NSEG, D), jnp.float32),
    )(tcp, partials)
    return out

# --- scband reference (transcript-rebuilt; emitter-appended) ---
"""Pipeline reference for scband-readout-layer-68839735821019 (READ-ONLY COPY).

The authoritative reference and input builder live on the scoring server;
editing this copy changes nothing except your own understanding.
"""

import jax, jax.numpy as jnp
import numpy as np

NUM_SEGMENTS = 512

def setup_inputs(seed: int = 0) -> dict:
    key = jax.random.key(seed)
    k1, k2 = jax.random.split(key)
    x = jax.random.normal(k1, (320000, 128), dtype=jnp.float32)
    batch = jnp.sort(jax.random.randint(k2, (320000,), 0, NUM_SEGMENTS, dtype=jnp.int64))
    return {"x": x, "batch": batch}

def reference(x, batch):
    # global_add_pool: sum node features per graph id (segment sum)
    pooled = jax.ops.segment_sum(x, batch, num_segments=NUM_SEGMENTS)
    return pooled

if __name__ == "__main__":
    import jax
    _d = setup_inputs()
    print(jax.jit(kernel)(*tuple(_d.values())))

</pallas_src>

<mosaic_0001>
#map = affine_map<(d0, d1) -> (0, 0)>
#map1 = affine_map<(d0, d1) -> (0, 0, 0)>
module attributes {stable_mosaic.version = 14 : i64} {
  func.func @_sc_body(%arg0: i32, %arg1: i32, %arg2: memref<320000x128xf32, #tpu.memory_space<hbm>>, %arg3: memref<32x55x128xi32, #tpu.memory_space<hbm>>, %arg4: memref<2x512x128xf32, #tpu.memory_space<hbm>>, %arg5: memref<6x128x128xf32, #tpu.memory_space<vmem>>, %arg6: memref<55x128xi32, #tpu.memory_space<vmem>>, %arg7: memref<32x128xf32, #tpu.memory_space<vmem>>, %arg8: memref<512x128xf32, #tpu.memory_space<vmem_shared>>, %arg9: memref<7x!tpu.dma_semaphore, #tpu.memory_space<semaphore_mem>>, %arg10: memref<6x!tpu.dma_semaphore, #tpu.memory_space<semaphore_mem>>) attributes {dimension_semantics = [#tpu.dimension_semantics<core_parallel>, #tpu.dimension_semantics<subcore_parallel>], iteration_bounds = array<i64: 2, 16>, scalar_prefetch = 0 : i64, scratch_operands = 6 : i64, tpu.core_type = #tpu.core_type<sc_vector_subcore>, window_params = [{transform_indices = #map}, {transform_indices = #map1}, {transform_indices = #map1}]} {
    %mul3A = arith.constant 2 : i32
    %mul3A_0 = arith.muli %arg1, %mul3A : i32
    %add3A = arith.addi %mul3A_0, %arg0 : i32
    %mul3A_1 = arith.constant 7040 : i32
    %mul3A_2 = arith.muli %add3A, %mul3A_1 : i32
    %add3A_3 = arith.constant 94720 : i32
    %add3A_4 = arith.addi %add3A_3, %mul3A_2 : i32
    %dma_start3A = arith.constant 6 : i32
    %dma_start3A_5 = arith.constant 0 : i32
    %dma_start3A_6 = arith.constant 0 : i32
    %dma_start3A_7 = tpu.memref_slice %arg3[%add3A, %dma_start3A_5, %dma_start3A_6] : memref<32x55x128xi32, #tpu.memory_space<hbm>> -> memref<1x55x128xi32, #tpu.memory_space<hbm>>
    %dma_start3A_8 = tpu.memref_squeeze %dma_start3A_7 : memref<1x55x128xi32, #tpu.memory_space<hbm>> -> memref<55x128xi32, #tpu.memory_space<hbm>>
    %dma_start3A_9 = tpu.memref_slice %arg9[%dma_start3A] : memref<7x!tpu.dma_semaphore, #tpu.memory_space<semaphore_mem>> -> memref<1x!tpu.dma_semaphore, #tpu.memory_space<semaphore_mem>>
    %dma_start3A_10 = tpu.memref_squeeze %dma_start3A_9 : memref<1x!tpu.dma_semaphore, #tpu.memory_space<semaphore_mem>> -> memref<!tpu.dma_semaphore, #tpu.memory_space<semaphore_mem>>
    %dma_start3A_11 = arith.constant 0 : i32
    %dma_start3A_12 = arith.constant 0 : i32
    %dma_start3A_13 = tpu.memref_slice %arg3[%add3A, %dma_start3A_11, %dma_start3A_12] : memref<32x55x128xi32, #tpu.memory_space<hbm>> -> memref<1x55x128xi32, #tpu.memory_space<hbm>>
    %dma_start3A_14 = tpu.memref_squeeze %dma_start3A_13 : memref<1x55x128xi32, #tpu.memory_space<hbm>> -> memref<55x128xi32, #tpu.memory_space<hbm>>
    tpu.enqueue_dma source(%dma_start3A_14 : memref<55x128xi32, #tpu.memory_space<hbm>>) target(%arg6 : memref<55x128xi32, #tpu.memory_space<vmem>>) target_semaphore(%dma_start3A_10 : memref<!tpu.dma_semaphore, #tpu.memory_space<semaphore_mem>>)
    %broadcast_in_dim3A = arith.constant 0.000000e+00 : f32
    %broadcast_in_dim3A_15 = vector.broadcast %broadcast_in_dim3A : f32 to vector<16xf32>
    %scan3A = arith.constant 0 : i32
    %scan3A_16 = arith.constant 0 : i32
    %scan3A_17 = arith.constant 32 : i32
    %scan3A_18 = arith.addi %scan3A_16, %scan3A_17 : i32
    %scan3A_19 = arith.constant 1 : i32
    scf.for %scan3A_200 = %scan3A_16 to %scan3A_18 step %scan3A_19  : i32 {
      %swap3A = arith.constant 0 : i32
      %swap3A_201 = tpu.memref_slice %arg7[%scan3A_200, %swap3A] : memref<32x128xf32, #tpu.memory_space<vmem>> -> memref<1x128xf32, #tpu.memory_space<vmem>>
      %swap3A_202 = tpu.memref_squeeze %swap3A_201 : memref<1x128xf32, #tpu.memory_space<vmem>> -> memref<128xf32, #tpu.memory_space<vmem>>
      %swap3A_203 = arith.constant 0 : index
      %swap3A_204 = tpu.vector_load %swap3A_202[%swap3A_203] {strides = array<i32>} : memref<128xf32, #tpu.memory_space<vmem>>, vector<16xf32>,
      %swap3A_205 = vector.shape_cast %swap3A_204 : vector<16xf32> to vector<16xf32>
      %swap3A_206 = vector.shape_cast %broadcast_in_dim3A_15 : vector<16xf32> to vector<16xf32>
      tpu.vector_store %swap3A_202[%swap3A_203], %swap3A_206 {strides = array<i32>} : memref<128xf32, #tpu.memory_space<vmem>>, vector<16xf32>,
      %swap3A_207 = arith.constant 0 : i32
      %swap3A_208 = tpu.memref_slice %arg7[%scan3A_200, %swap3A_207] : memref<32x128xf32, #tpu.memory_space<vmem>> -> memref<1x128xf32, #tpu.memory_space<vmem>>
      %swap3A_209 = tpu.memref_squeeze %swap3A_208 : memref<1x128xf32, #tpu.memory_space<vmem>> -> memref<128xf32, #tpu.memory_space<vmem>>
      %swap3A_210 = arith.constant 16 : index
      %swap3A_211 = tpu.vector_load %swap3A_209[%swap3A_210] {strides = array<i32>} : memref<128xf32, #tpu.memory_space<vmem>>, vector<16xf32>,
      %swap3A_212 = vector.shape_cast %swap3A_211 : vector<16xf32> to vector<16xf32>
      %swap3A_213 = vector.shape_cast %broadcast_in_dim3A_15 : vector<16xf32> to vector<16xf32>
      tpu.vector_store %swap3A_209[%swap3A_210], %swap3A_213 {strides = array<i32>} : memref<128xf32, #tpu.memory_space<vmem>>, vector<16xf32>,
      %swap3A_214 = arith.constant 0 : i32
      %swap3A_215 = tpu.memref_slice %arg7[%scan3A_200, %swap3A_214] : memref<32x128xf32, #tpu.memory_space<vmem>> -> memref<1x128xf32, #tpu.memory_space<vmem>>
      %swap3A_216 = tpu.memref_squeeze %swap3A_215 : memref<1x128xf32, #tpu.memory_space<vmem>> -> memref<128xf32, #tpu.memory_space<vmem>>
      %swap3A_217 = arith.constant 32 : index
      %swap3A_218 = tpu.vector_load %swap3A_216[%swap3A_217] {strides = array<i32>} : memref<128xf32, #tpu.memory_space<vmem>>, vector<16xf32>,
      %swap3A_219 = vector.shape_cast %swap3A_218 : vector<16xf32> to vector<16xf32>
      %swap3A_220 = vector.shape_cast %broadcast_in_dim3A_15 : vector<16xf32> to vector<16xf32>
      tpu.vector_store %swap3A_216[%swap3A_217], %swap3A_220 {strides = array<i32>} : memref<128xf32, #tpu.memory_space<vmem>>, vector<16xf32>,
      %swap3A_221 = arith.constant 0 : i32
      %swap3A_222 = tpu.memref_slice %arg7[%scan3A_200, %swap3A_221] : memref<32x128xf32, #tpu.memory_space<vmem>> -> memref<1x128xf32, #tpu.memory_space<vmem>>
      %swap3A_223 = tpu.memref_squeeze %swap3A_222 : memref<1x128xf32, #tpu.memory_space<vmem>> -> memref<128xf32, #tpu.memory_space<vmem>>
      %swap3A_224 = arith.constant 48 : index
      %swap3A_225 = tpu.vector_load %swap3A_223[%swap3A_224] {strides = array<i32>} : memref<128xf32, #tpu.memory_space<vmem>>, vector<16xf32>,
      %swap3A_226 = vector.shape_cast %swap3A_225 : vector<16xf32> to vector<16xf32>
      %swap3A_227 = vector.shape_cast %broadcast_in_dim3A_15 : vector<16xf32> to vector<16xf32>
      tpu.vector_store %swap3A_223[%swap3A_224], %swap3A_227 {strides = array<i32>} : memref<128xf32, #tpu.memory_space<vmem>>, vector<16xf32>,
      %swap3A_228 = arith.constant 0 : i32
      %swap3A_229 = tpu.memref_slice %arg7[%scan3A_200, %swap3A_228] : memref<32x128xf32, #tpu.memory_space<vmem>> -> memref<1x128xf32, #tpu.memory_space<vmem>>
      %swap3A_230 = tpu.memref_squeeze %swap3A_229 : memref<1x128xf32, #tpu.memory_space<vmem>> -> memref<128xf32, #tpu.memory_space<vmem>>
      %swap3A_231 = arith.constant 64 : index
      %swap3A_232 = tpu.vector_load %swap3A_230[%swap3A_231] {strides = array<i32>} : memref<128xf32, #tpu.memory_space<vmem>>, vector<16xf32>,
      %swap3A_233 = vector.shape_cast %swap3A_232 : vector<16xf32> to vector<16xf32>
      %swap3A_234 = vector.shape_cast %broadcast_in_dim3A_15 : vector<16xf32> to vector<16xf32>
      tpu.vector_store %swap3A_230[%swap3A_231], %swap3A_234 {strides = array<i32>} : memref<128xf32, #tpu.memory_space<vmem>>, vector<16xf32>,
      %swap3A_235 = arith.constant 0 : i32
      %swap3A_236 = tpu.memref_slice %arg7[%scan3A_200, %swap3A_235] : memref<32x128xf32, #tpu.memory_space<vmem>> -> memref<1x128xf32, #tpu.memory_space<vmem>>
      %swap3A_237 = tpu.memref_squeeze %swap3A_236 : memref<1x128xf32, #tpu.memory_space<vmem>> -> memref<128xf32, #tpu.memory_space<vmem>>
      %swap3A_238 = arith.constant 80 : index
      %swap3A_239 = tpu.vector_load %swap3A_237[%swap3A_238] {strides = array<i32>} : memref<128xf32, #tpu.memory_space<vmem>>, vector<16xf32>,
      %swap3A_240 = vector.shape_cast %swap3A_239 : vector<16xf32> to vector<16xf32>
      %swap3A_241 = vector.shape_cast %broadcast_in_dim3A_15 : vector<16xf32> to vector<16xf32>
      tpu.vector_store %swap3A_237[%swap3A_238], %swap3A_241 {strides = array<i32>} : memref<128xf32, #tpu.memory_space<vmem>>, vector<16xf32>,
      %swap3A_242 = arith.constant 0 : i32
      %swap3A_243 = tpu.memref_slice %arg7[%scan3A_200, %swap3A_242] : memref<32x128xf32, #tpu.memory_space<vmem>> -> memref<1x128xf32, #tpu.memory_space<vmem>>
      %swap3A_244 = tpu.memref_squeeze %swap3A_243 : memref<1x128xf32, #tpu.memory_space<vmem>> -> memref<128xf32, #tpu.memory_space<vmem>>
      %swap3A_245 = arith.constant 96 : index
      %swap3A_246 = tpu.vector_load %swap3A_244[%swap3A_245] {strides = array<i32>} : memref<128xf32, #tpu.memory_space<vmem>>, vector<16xf32>,
      %swap3A_247 = vector.shape_cast %swap3A_246 : vector<16xf32> to vector<16xf32>
      %swap3A_248 = vector.shape_cast %broadcast_in_dim3A_15 : vector<16xf32> to vector<16xf32>
      tpu.vector_store %swap3A_244[%swap3A_245], %swap3A_248 {strides = array<i32>} : memref<128xf32, #tpu.memory_space<vmem>>, vector<16xf32>,
      %swap3A_249 = arith.constant 0 : i32
      %swap3A_250 = tpu.memref_slice %arg7[%scan3A_200, %swap3A_249] : memref<32x128xf32, #tpu.memory_space<vmem>> -> memref<1x128xf32, #tpu.memory_space<vmem>>
      %swap3A_251 = tpu.memref_squeeze %swap3A_250 : memref<1x128xf32, #tpu.memory_space<vmem>> -> memref<128xf32, #tpu.memory_space<vmem>>
      %swap3A_252 = arith.constant 112 : index
      %swap3A_253 = tpu.vector_load %swap3A_251[%swap3A_252] {strides = array<i32>} : memref<128xf32, #tpu.memory_space<vmem>>, vector<16xf32>,
      %swap3A_254 = vector.shape_cast %swap3A_253 : vector<16xf32> to vector<16xf32>
      %swap3A_255 = vector.shape_cast %broadcast_in_dim3A_15 : vector<16xf32> to vector<16xf32>
      tpu.vector_store %swap3A_251[%swap3A_252], %swap3A_255 {strides = array<i32>} : memref<128xf32, #tpu.memory_space<vmem>>, vector<16xf32>,
    }
    %scan3A_20 = arith.constant 32 : i32
    %mul3A_21 = arith.constant 32 : i32
    %mul3A_22 = arith.muli %arg1, %mul3A_21 : i32
    "tpu.region"() ({
      %run_scoped3A = tpu.sem_alloc : memref<!tpu.dma_semaphore, #tpu.memory_space<semaphore_mem>>
      %dma_start3A_200 = arith.constant 0 : i32
      %dma_start3A_201 = tpu.memref_slice %arg8[%mul3A_22, %dma_start3A_200] : memref<512x128xf32, #tpu.memory_space<vmem_shared>> -> memref<32x128xf32, #tpu.memory_space<vmem_shared>>
      %dma_start3A_202 = arith.constant 0 : i32
      %dma_start3A_203 = tpu.memref_slice %arg8[%mul3A_22, %dma_start3A_202] : memref<512x128xf32, #tpu.memory_space<vmem_shared>> -> memref<32x128xf32, #tpu.memory_space<vmem_shared>>
      tpu.enqueue_dma source(%arg7 : memref<32x128xf32, #tpu.memory_space<vmem>>) target(%dma_start3A_203 : memref<32x128xf32, #tpu.memory_space<vmem_shared>>) target_semaphore(%run_scoped3A : memref<!tpu.dma_semaphore, #tpu.memory_space<semaphore_mem>>)
      %dma_wait3A_204 = arith.constant 0 : i32
      %dma_wait3A_205 = tpu.memref_slice %arg8[%mul3A_22, %dma_wait3A_204] : memref<512x128xf32, #tpu.memory_space<vmem_shared>> -> memref<32x128xf32, #tpu.memory_space<vmem_shared>>
      %dma_wait3A_206 = arith.constant 0 : i32
      %dma_wait3A_207 = tpu.memref_slice %arg8[%mul3A_22, %dma_wait3A_206] : memref<512x128xf32, #tpu.memory_space<vmem_shared>> -> memref<32x128xf32, #tpu.memory_space<vmem_shared>>
      tpu.wait_dma2 semaphore(%run_scoped3A : memref<!tpu.dma_semaphore, #tpu.memory_space<semaphore_mem>>) src(%arg7 : memref<32x128xf32, #tpu.memory_space<vmem>>) dst(%dma_wait3A_207 : memref<32x128xf32, #tpu.memory_space<vmem_shared>>)
      tpu.yield
    }) : () -> ()
    %barrier3A = arith.constant 0 : index
    tpu.barrier barrier_id(%barrier3A)
    %add3A_23 = arith.constant 0 : i32
    %add3A_24 = arith.addi %add3A_4, %add3A_23 : i32
    %dma_start3A_25 = arith.constant 0 : i32
    %dma_start3A_26 = arith.constant 0 : i32
    %dma_start3A_27 = arith.constant 0 : i32
    %dma_start3A_28 = arith.constant 0 : i32
    %dma_start3A_29 = tpu.memref_slice %arg5[%dma_start3A_25, %dma_start3A_27, %dma_start3A_28] : memref<6x128x128xf32, #tpu.memory_space<vmem>> -> memref<1x128x128xf32, #tpu.memory_space<vmem>>
    %dma_start3A_30 = tpu.memref_squeeze %dma_start3A_29 : memref<1x128x128xf32, #tpu.memory_space<vmem>> -> memref<128x128xf32, #tpu.memory_space<vmem>>
    %dma_start3A_31 = arith.constant 0 : i32
    %dma_start3A_32 = tpu.memref_slice %arg2[%add3A_24, %dma_start3A_31] : memref<320000x128xf32, #tpu.memory_space<hbm>> -> memref<128x128xf32, #tpu.memory_space<hbm>>
    %dma_start3A_33 = tpu.memref_slice %arg9[%dma_start3A_26] : memref<7x!tpu.dma_semaphore, #tpu.memory_space<semaphore_mem>> -> memref<1x!tpu.dma_semaphore, #tpu.memory_space<semaphore_mem>>
    %dma_start3A_34 = tpu.memref_squeeze %dma_start3A_33 : memref<1x!tpu.dma_semaphore, #tpu.memory_space<semaphore_mem>> -> memref<!tpu.dma_semaphore, #tpu.memory_space<semaphore_mem>>
    %dma_start3A_35 = arith.constant 0 : i32
    %dma_start3A_36 = arith.constant 0 : i32
    %dma_start3A_37 = tpu.memref_slice %arg5[%dma_start3A_25, %dma_start3A_35, %dma_start3A_36] : memref<6x128x128xf32, #tpu.memory_space<vmem>> -> memref<1x128x128xf32, #tpu.memory_space<vmem>>
    %dma_start3A_38 = tpu.memref_squeeze %dma_start3A_37 : memref<1x128x128xf32, #tpu.memory_space<vmem>> -> memref<128x128xf32, #tpu.memory_space<vmem>>
    %dma_start3A_39 = arith.constant 0 : i32
    %dma_start3A_40 = tpu.memref_slice %arg2[%add3A_24, %dma_start3A_39] : memref<320000x128xf32, #tpu.memory_space<hbm>> -> memref<128x128xf32, #tpu.memory_space<hbm>>
    tpu.enqueue_dma source(%dma_start3A_40 : memref<128x128xf32, #tpu.memory_space<hbm>>) target(%dma_start3A_38 : memref<128x128xf32, #tpu.memory_space<vmem>>) target_semaphore(%dma_start3A_34 : memref<!tpu.dma_semaphore, #tpu.memory_space<semaphore_mem>>)
    %add3A_41 = arith.constant 128 : i32
    %add3A_42 = arith.addi %add3A_4, %add3A_41 : i32
    %dma_start3A_43 = arith.constant 1 : i32
    %dma_start3A_44 = arith.constant 1 : i32
    %dma_start3A_45 = arith.constant 0 : i32
    %dma_start3A_46 = arith.constant 0 : i32
    %dma_start3A_47 = tpu.memref_slice %arg5[%dma_start3A_43, %dma_start3A_45, %dma_start3A_46] : memref<6x128x128xf32, #tpu.memory_space<vmem>> -> memref<1x128x128xf32, #tpu.memory_space<vmem>>
    %dma_start3A_48 = tpu.memref_squeeze %dma_start3A_47 : memref<1x128x128xf32, #tpu.memory_space<vmem>> -> memref<128x128xf32, #tpu.memory_space<vmem>>
    %dma_start3A_49 = arith.constant 0 : i32
    %dma_start3A_50 = tpu.memref_slice %arg2[%add3A_42, %dma_start3A_49] : memref<320000x128xf32, #tpu.memory_space<hbm>> -> memref<128x128xf32, #tpu.memory_space<hbm>>
    %dma_start3A_51 = tpu.memref_slice %arg9[%dma_start3A_44] : memref<7x!tpu.dma_semaphore, #tpu.memory_space<semaphore_mem>> -> memref<1x!tpu.dma_semaphore, #tpu.memory_space<semaphore_mem>>
    %dma_start3A_52 = tpu.memref_squeeze %dma_start3A_51 : memref<1x!tpu.dma_semaphore, #tpu.memory_space<semaphore_mem>> -> memref<!tpu.dma_semaphore, #tpu.memory_space<semaphore_mem>>
    %dma_start3A_53 = arith.constant 0 : i32
    %dma_start3A_54 = arith.constant 0 : i32
    %dma_start3A_55 = tpu.memref_slice %arg5[%dma_start3A_43, %dma_start3A_53, %dma_start3A_54] : memref<6x128x128xf32, #tpu.memory_space<vmem>> -> memref<1x128x128xf32, #tpu.memory_space<vmem>>
    %dma_start3A_56 = tpu.memref_squeeze %dma_start3A_55 : memref<1x128x128xf32, #tpu.memory_space<vmem>> -> memref<128x128xf32, #tpu.memory_space<vmem>>
    %dma_start3A_57 = arith.constant 0 : i32
    %dma_start3A_58 = tpu.memref_slice %arg2[%add3A_42, %dma_start3A_57] : memref<320000x128xf32, #tpu.memory_space<hbm>> -> memref<128x128xf32, #tpu.memory_space<hbm>>
    tpu.enqueue_dma source(%dma_start3A_58 : memref<128x128xf32, #tpu.memory_space<hbm>>) target(%dma_start3A_56 : memref<128x128xf32, #tpu.memory_space<vmem>>) target_semaphore(%dma_start3A_52 : memref<!tpu.dma_semaphore, #tpu.memory_space<semaphore_mem>>)
    %add3A_59 = arith.constant 256 : i32
    %add3A_60 = arith.addi %add3A_4, %add3A_59 : i32
    %dma_start3A_61 = arith.constant 2 : i32
    %dma_start3A_62 = arith.constant 2 : i32
    %dma_start3A_63 = arith.constant 0 : i32
    %dma_start3A_64 = arith.constant 0 : i32
    %dma_start3A_65 = tpu.memref_slice %arg5[%dma_start3A_61, %dma_start3A_63, %dma_start3A_64] : memref<6x128x128xf32, #tpu.memory_space<vmem>> -> memref<1x128x128xf32, #tpu.memory_space<vmem>>
    %dma_start3A_66 = tpu.memref_squeeze %dma_start3A_65 : memref<1x128x128xf32, #tpu.memory_space<vmem>> -> memref<128x128xf32, #tpu.memory_space<vmem>>
    %dma_start3A_67 = arith.constant 0 : i32
    %dma_start3A_68 = tpu.memref_slice %arg2[%add3A_60, %dma_start3A_67] : memref<320000x128xf32, #tpu.memory_space<hbm>> -> memref<128x128xf32, #tpu.memory_space<hbm>>
    %dma_start3A_69 = tpu.memref_slice %arg9[%dma_start3A_62] : memref<7x!tpu.dma_semaphore, #tpu.memory_space<semaphore_mem>> -> memref<1x!tpu.dma_semaphore, #tpu.memory_space<semaphore_mem>>
    %dma_start3A_70 = tpu.memref_squeeze %dma_start3A_69 : memref<1x!tpu.dma_semaphore, #tpu.memory_space<semaphore_mem>> -> memref<!tpu.dma_semaphore, #tpu.memory_space<semaphore_mem>>
    %dma_start3A_71 = arith.constant 0 : i32
    %dma_start3A_72 = arith.constant 0 : i32
    %dma_start3A_73 = tpu.memref_slice %arg5[%dma_start3A_61, %dma_start3A_71, %dma_start3A_72] : memref<6x128x128xf32, #tpu.memory_space<vmem>> -> memref<1x128x128xf32, #tpu.memory_space<vmem>>
    %dma_start3A_74 = tpu.memref_squeeze %dma_start3A_73 : memref<1x128x128xf32, #tpu.memory_space<vmem>> -> memref<128x128xf32, #tpu.memory_space<vmem>>
    %dma_start3A_75 = arith.constant 0 : i32
    %dma_start3A_76 = tpu.memref_slice %arg2[%add3A_60, %dma_start3A_75] : memref<320000x128xf32, #tpu.memory_space<hbm>> -> memref<128x128xf32, #tpu.memory_space<hbm>>
    tpu.enqueue_dma source(%dma_start3A_76 : memref<128x128xf32, #tpu.memory_space<hbm>>) target(%dma_start3A_74 : memref<128x128xf32, #tpu.memory_space<vmem>>) target_semaphore(%dma_start3A_70 : memref<!tpu.dma_semaphore, #tpu.memory_space<semaphore_mem>>)
    %add3A_77 = arith.constant 384 : i32
    %add3A_78 = arith.addi %add3A_4, %add3A_77 : i32
    %dma_start3A_79 = arith.constant 3 : i32
    %dma_start3A_80 = arith.constant 3 : i32
    %dma_start3A_81 = arith.constant 0 : i32
    %dma_start3A_82 = arith.constant 0 : i32
    %dma_start3A_83 = tpu.memref_slice %arg5[%dma_start3A_79, %dma_start3A_81, %dma_start3A_82] : memref<6x128x128xf32, #tpu.memory_space<vmem>> -> memref<1x128x128xf32, #tpu.memory_space<vmem>>
    %dma_start3A_84 = tpu.memref_squeeze %dma_start3A_83 : memref<1x128x128xf32, #tpu.memory_space<vmem>> -> memref<128x128xf32, #tpu.memory_space<vmem>>
    %dma_start3A_85 = arith.constant 0 : i32
    %dma_start3A_86 = tpu.memref_slice %arg2[%add3A_78, %dma_start3A_85] : memref<320000x128xf32, #tpu.memory_space<hbm>> -> memref<128x128xf32, #tpu.memory_space<hbm>>
    %dma_start3A_87 = tpu.memref_slice %arg9[%dma_start3A_80] : memref<7x!tpu.dma_semaphore, #tpu.memory_space<semaphore_mem>> -> memref<1x!tpu.dma_semaphore, #tpu.memory_space<semaphore_mem>>
    %dma_start3A_88 = tpu.memref_squeeze %dma_start3A_87 : memref<1x!tpu.dma_semaphore, #tpu.memory_space<semaphore_mem>> -> memref<!tpu.dma_semaphore, #tpu.memory_space<semaphore_mem>>
    %dma_start3A_89 = arith.constant 0 : i32
    %dma_start3A_90 = arith.constant 0 : i32
    %dma_start3A_91 = tpu.memref_slice %arg5[%dma_start3A_79, %dma_start3A_89, %dma_start3A_90] : memref<6x128x128xf32, #tpu.memory_space<vmem>> -> memref<1x128x128xf32, #tpu.memory_space<vmem>>
    %dma_start3A_92 = tpu.memref_squeeze %dma_start3A_91 : memref<1x128x128xf32, #tpu.memory_space<vmem>> -> memref<128x128xf32, #tpu.memory_space<vmem>>
    %dma_start3A_93 = arith.constant 0 : i32
    %dma_start3A_94 = tpu.memref_slice %arg2[%add3A_78, %dma_start3A_93] : memref<320000x128xf32, #tpu.memory_space<hbm>> -> memref<128x128xf32, #tpu.memory_space<hbm>>
    tpu.enqueue_dma source(%dma_start3A_94 : memref<128x128xf32, #tpu.memory_space<hbm>>) target(%dma_start3A_92 : memref<128x128xf32, #tpu.memory_space<vmem>>) target_semaphore(%dma_start3A_88 : memref<!tpu.dma_semaphore, #tpu.memory_space<semaphore_mem>>)
    %add3A_95 = arith.constant 512 : i32
    %add3A_96 = arith.addi %add3A_4, %add3A_95 : i32
    %dma_start3A_97 = arith.constant 4 : i32
    %dma_start3A_98 = arith.constant 4 : i32
    %dma_start3A_99 = arith.constant 0 : i32
    %dma_start3A_100 = arith.constant 0 : i32
    %dma_start3A_101 = tpu.memref_slice %arg5[%dma_start3A_97, %dma_start3A_99, %dma_start3A_100] : memref<6x128x128xf32, #tpu.memory_space<vmem>> -> memref<1x128x128xf32, #tpu.memory_space<vmem>>
    %dma_start3A_102 = tpu.memref_squeeze %dma_start3A_101 : memref<1x128x128xf32, #tpu.memory_space<vmem>> -> memref<128x128xf32, #tpu.memory_space<vmem>>
    %dma_start3A_103 = arith.constant 0 : i32
    %dma_start3A_104 = tpu.memref_slice %arg2[%add3A_96, %dma_start3A_103] : memref<320000x128xf32, #tpu.memory_space<hbm>> -> memref<128x128xf32, #tpu.memory_space<hbm>>
    %dma_start3A_105 = tpu.memref_slice %arg9[%dma_start3A_98] : memref<7x!tpu.dma_semaphore, #tpu.memory_space<semaphore_mem>> -> memref<1x!tpu.dma_semaphore, #tpu.memory_space<semaphore_mem>>
    %dma_start3A_106 = tpu.memref_squeeze %dma_start3A_105 : memref<1x!tpu.dma_semaphore, #tpu.memory_space<semaphore_mem>> -> memref<!tpu.dma_semaphore, #tpu.memory_space<semaphore_mem>>
    %dma_start3A_107 = arith.constant 0 : i32
    %dma_start3A_108 = arith.constant 0 : i32
    %dma_start3A_109 = tpu.memref_slice %arg5[%dma_start3A_97, %dma_start3A_107, %dma_start3A_108] : memref<6x128x128xf32, #tpu.memory_space<vmem>> -> memref<1x128x128xf32, #tpu.memory_space<vmem>>
    %dma_start3A_110 = tpu.memref_squeeze %dma_start3A_109 : memref<1x128x128xf32, #tpu.memory_space<vmem>> -> memref<128x128xf32, #tpu.memory_space<vmem>>
    %dma_start3A_111 = arith.constant 0 : i32
    %dma_start3A_112 = tpu.memref_slice %arg2[%add3A_96, %dma_start3A_111] : memref<320000x128xf32, #tpu.memory_space<hbm>> -> memref<128x128xf32, #tpu.memory_space<hbm>>
    tpu.enqueue_dma source(%dma_start3A_112 : memref<128x128xf32, #tpu.memory_space<hbm>>) target(%dma_start3A_110 : memref<128x128xf32, #tpu.memory_space<vmem>>) target_semaphore(%dma_start3A_106 : memref<!tpu.dma_semaphore, #tpu.memory_space<semaphore_mem>>)
    %add3A_113 = arith.constant 640 : i32
    %add3A_114 = arith.addi %add3A_4, %add3A_113 : i32
    %dma_start3A_115 = arith.constant 5 : i32
    %dma_start3A_116 = arith.constant 5 : i32
    %dma_start3A_117 = arith.constant 0 : i32
    %dma_start3A_118 = arith.constant 0 : i32
    %dma_start3A_119 = tpu.memref_slice %arg5[%dma_start3A_115, %dma_start3A_117, %dma_start3A_118] : memref<6x128x128xf32, #tpu.memory_space<vmem>> -> memref<1x128x128xf32, #tpu.memory_space<vmem>>
    %dma_start3A_120 = tpu.memref_squeeze %dma_start3A_119 : memref<1x128x128xf32, #tpu.memory_space<vmem>> -> memref<128x128xf32, #tpu.memory_space<vmem>>
    %dma_start3A_121 = arith.constant 0 : i32
    %dma_start3A_122 = tpu.memref_slice %arg2[%add3A_114, %dma_start3A_121] : memref<320000x128xf32, #tpu.memory_space<hbm>> -> memref<128x128xf32, #tpu.memory_space<hbm>>
    %dma_start3A_123 = tpu.memref_slice %arg9[%dma_start3A_116] : memref<7x!tpu.dma_semaphore, #tpu.memory_space<semaphore_mem>> -> memref<1x!tpu.dma_semaphore, #tpu.memory_space<semaphore_mem>>
    %dma_start3A_124 = tpu.memref_squeeze %dma_start3A_123 : memref<1x!tpu.dma_semaphore, #tpu.memory_space<semaphore_mem>> -> memref<!tpu.dma_semaphore, #tpu.memory_space<semaphore_mem>>
    %dma_start3A_125 = arith.constant 0 : i32
    %dma_start3A_126 = arith.constant 0 : i32
    %dma_start3A_127 = tpu.memref_slice %arg5[%dma_start3A_115, %dma_start3A_125, %dma_start3A_126] : memref<6x128x128xf32, #tpu.memory_space<vmem>> -> memref<1x128x128xf32, #tpu.memory_space<vmem>>
    %dma_start3A_128 = tpu.memref_squeeze %dma_start3A_127 : memref<1x128x128xf32, #tpu.memory_space<vmem>> -> memref<128x128xf32, #tpu.memory_space<vmem>>
    %dma_start3A_129 = arith.constant 0 : i32
    %dma_start3A_130 = tpu.memref_slice %arg2[%add3A_114, %dma_start3A_129] : memref<320000x128xf32, #tpu.memory_space<hbm>> -> memref<128x128xf32, #tpu.memory_space<hbm>>
    tpu.enqueue_dma source(%dma_start3A_130 : memref<128x128xf32, #tpu.memory_space<hbm>>) target(%dma_start3A_128 : memref<128x128xf32, #tpu.memory_space<vmem>>) target_semaphore(%dma_start3A_124 : memref<!tpu.dma_semaphore, #tpu.memory_space<semaphore_mem>>)
    %dma_wait3A = arith.constant 6 : i32
    %dma_wait3A_131 = arith.constant 0 : i32
    %dma_wait3A_132 = arith.constant 0 : i32
    %dma_wait3A_133 = tpu.memref_slice %arg3[%add3A, %dma_wait3A_131, %dma_wait3A_132] : memref<32x55x128xi32, #tpu.memory_space<hbm>> -> memref<1x55x128xi32, #tpu.memory_space<hbm>>
    %dma_wait3A_134 = tpu.memref_squeeze %dma_wait3A_133 : memref<1x55x128xi32, #tpu.memory_space<hbm>> -> memref<55x128xi32, #tpu.memory_space<hbm>>
    %dma_wait3A_135 = tpu.memref_slice %arg9[%dma_wait3A] : memref<7x!tpu.dma_semaphore, #tpu.memory_space<semaphore_mem>> -> memref<1x!tpu.dma_semaphore, #tpu.memory_space<semaphore_mem>>
    %dma_wait3A_136 = tpu.memref_squeeze %dma_wait3A_135 : memref<1x!tpu.dma_semaphore, #tpu.memory_space<semaphore_mem>> -> memref<!tpu.dma_semaphore, #tpu.memory_space<semaphore_mem>>
    %dma_wait3A_137 = arith.constant 0 : i32
    %dma_wait3A_138 = arith.constant 0 : i32
    %dma_wait3A_139 = tpu.memref_slice %arg3[%add3A, %dma_wait3A_137, %dma_wait3A_138] : memref<32x55x128xi32, #tpu.memory_space<hbm>> -> memref<1x55x128xi32, #tpu.memory_space<hbm>>
    %dma_wait3A_140 = tpu.memref_squeeze %dma_wait3A_139 : memref<1x55x128xi32, #tpu.memory_space<hbm>> -> memref<55x128xi32, #tpu.memory_space<hbm>>
    tpu.wait_dma2 semaphore(%dma_wait3A_136 : memref<!tpu.dma_semaphore, #tpu.memory_space<semaphore_mem>>) src(%dma_wait3A_140 : memref<55x128xi32, #tpu.memory_space<hbm>>) dst(%arg6 : memref<55x128xi32, #tpu.memory_space<vmem>>)
    %scan3A_141 = arith.constant 0 : i32
    %scan3A_142 = arith.constant 0 : i32
    %scan3A_143 = arith.constant 9 : i32
    %scan3A_144 = arith.addi %scan3A_142, %scan3A_143 : i32
    %scan3A_145 = arith.constant 1 : i32
    scf.for %scan3A_200 = %scan3A_142 to %scan3A_144 step %scan3A_145  : i32 {
      %mul3A_201 = arith.constant 6 : i32
      %mul3A_202 = arith.muli %mul3A_201, %scan3A_200 : i32
      %add3A_203 = arith.constant 0 : i32
      %add3A_204 = arith.addi %mul3A_202, %add3A_203 : i32
      %mul3A_205 = arith.constant 128 : i32
      %mul3A_206 = arith.muli %add3A_204, %mul3A_205 : i32
      %add3A_207 = arith.addi %add3A_4, %mul3A_206 : i32
      %dma_wait3A_208 = arith.constant 0 : i32
      %dma_wait3A_209 = arith.constant 0 : i32
      %dma_wait3A_210 = arith.constant 0 : i32
      %dma_wait3A_211 = arith.constant 0 : i32
      %dma_wait3A_212 = tpu.memref_slice %arg5[%dma_wait3A_208, %dma_wait3A_210, %dma_wait3A_211] : memref<6x128x128xf32, #tpu.memory_space<vmem>> -> memref<1x128x128xf32, #tpu.memory_space<vmem>>
      %dma_wait3A_213 = tpu.memref_squeeze %dma_wait3A_212 : memref<1x128x128xf32, #tpu.memory_space<vmem>> -> memref<128x128xf32, #tpu.memory_space<vmem>>
      %dma_wait3A_214 = arith.constant 0 : i32
      %dma_wait3A_215 = tpu.memref_slice %arg2[%add3A_207, %dma_wait3A_214] : memref<320000x128xf32, #tpu.memory_space<hbm>> -> memref<128x128xf32, #tpu.memory_space<hbm>>
      %dma_wait3A_216 = tpu.memref_slice %arg9[%dma_wait3A_209] : memref<7x!tpu.dma_semaphore, #tpu.memory_space<semaphore_mem>> -> memref<1x!tpu.dma_semaphore, #tpu.memory_space<semaphore_mem>>
      %dma_wait3A_217 = tpu.memref_squeeze %dma_wait3A_216 : memref<1x!tpu.dma_semaphore, #tpu.memory_space<semaphore_mem>> -> memref<!tpu.dma_semaphore, #tpu.memory_space<semaphore_mem>>
      %dma_wait3A_218 = arith.constant 0 : i32
      %dma_wait3A_219 = arith.constant 0 : i32
      %dma_wait3A_220 = tpu.memref_slice %arg5[%dma_wait3A_208, %dma_wait3A_218, %dma_wait3A_219] : memref<6x128x128xf32, #tpu.memory_space<vmem>> -> memref<1x128x128xf32, #tpu.memory_space<vmem>>
      %dma_wait3A_221 = tpu.memref_squeeze %dma_wait3A_220 : memref<1x128x128xf32, #tpu.memory_space<vmem>> -> memref<128x128xf32, #tpu.memory_space<vmem>>
      %dma_wait3A_222 = arith.constant 0 : i32
      %dma_wait3A_223 = tpu.memref_slice %arg2[%add3A_207, %dma_wait3A_222] : memref<320000x128xf32, #tpu.memory_space<hbm>> -> memref<128x128xf32, #tpu.memory_space<hbm>>
      tpu.wait_dma2 semaphore(%dma_wait3A_217 : memref<!tpu.dma_semaphore, #tpu.memory_space<semaphore_mem>>) src(%dma_wait3A_223 : memref<128x128xf32, #tpu.memory_space<hbm>>) dst(%dma_wait3A_221 : memref<128x128xf32, #tpu.memory_space<vmem>>)
      %dma_start3A_224 = arith.constant 0 : i32
      %dma_start3A_225 = arith.constant 0 : i32
      %dma_start3A_226 = arith.constant 0 : i32
      %dma_start3A_227 = arith.constant 0 : i32
      %dma_start3A_228 = tpu.memref_slice %arg5[%dma_start3A_224, %dma_start3A_226, %dma_start3A_227] : memref<6x128x128xf32, #tpu.memory_space<vmem>> -> memref<1x128x128xf32, #tpu.memory_space<vmem>>
      %dma_start3A_229 = tpu.memref_squeeze %dma_start3A_228 : memref<1x128x128xf32, #tpu.memory_space<vmem>> -> memref<128x128xf32, #tpu.memory_space<vmem>>
      %dma_start3A_230 = arith.constant 0 : i32
      %dma_start3A_231 = tpu.memref_slice %arg6[%add3A_204, %dma_start3A_230] : memref<55x128xi32, #tpu.memory_space<vmem>> -> memref<1x128xi32, #tpu.memory_space<vmem>>
      %dma_start3A_232 = tpu.memref_squeeze %dma_start3A_231 : memref<1x128xi32, #tpu.memory_space<vmem>> -> memref<128xi32, #tpu.memory_space<vmem>>
      %dma_start3A_233 = arith.constant 0 : i32
      %dma_start3A_234 = arith.constant 0 : i32
      %dma_start3A_235 = tpu.memref_slice %arg8[%dma_start3A_233, %dma_start3A_234] : memref<512x128xf32, #tpu.memory_space<vmem_shared>> -> memref<512x128xf32, #tpu.memory_space<vmem_shared>>
      %dma_start3A_236 = tpu.memref_slice %arg10[%dma_start3A_225] : memref<6x!tpu.dma_semaphore, #tpu.memory_space<semaphore_mem>> -> memref<1x!tpu.dma_semaphore, #tpu.memory_space<semaphore_mem>>
      %dma_start3A_237 = tpu.memref_squeeze %dma_start3A_236 : memref<1x!tpu.dma_semaphore, #tpu.memory_space<semaphore_mem>> -> memref<!tpu.dma_semaphore, #tpu.memory_space<semaphore_mem>>
      tpu.enqueue_indirect_dma source(%dma_start3A_229 : memref<128x128xf32, #tpu.memory_space<vmem>>) target(%dma_start3A_235 : memref<512x128xf32, #tpu.memory_space<vmem_shared>>) offsets(%dma_start3A_232 : memref<128xi32, #tpu.memory_space<vmem>>) semaphore(%dma_start3A_237 : memref<!tpu.dma_semaphore, #tpu.memory_space<semaphore_mem>>) {add = true}
      %mul3A_238 = arith.constant 6 : i32
      %mul3A_239 = arith.muli %mul3A_238, %scan3A_200 : i32
      %add3A_240 = arith.constant 1 : i32
      %add3A_241 = arith.addi %mul3A_239, %add3A_240 : i32
      %mul3A_242 = arith.constant 128 : i32
      %mul3A_243 = arith.muli %add3A_241, %mul3A_242 : i32
      %add3A_244 = arith.addi %add3A_4, %mul3A_243 : i32
      %dma_wait3A_245 = arith.constant 1 : i32
      %dma_wait3A_246 = arith.constant 1 : i32
      %dma_wait3A_247 = arith.constant 0 : i32
      %dma_wait3A_248 = arith.constant 0 : i32
      %dma_wait3A_249 = tpu.memref_slice %arg5[%dma_wait3A_245, %dma_wait3A_247, %dma_wait3A_248] : memref<6x128x128xf32, #tpu.memory_space<vmem>> -> memref<1x128x128xf32, #tpu.memory_space<vmem>>
      %dma_wait3A_250 = tpu.memref_squeeze %dma_wait3A_249 : memref<1x128x128xf32, #tpu.memory_space<vmem>> -> memref<128x128xf32, #tpu.memory_space<vmem>>
      %dma_wait3A_251 = arith.constant 0 : i32
      %dma_wait3A_252 = tpu.memref_slice %arg2[%add3A_244, %dma_wait3A_251] : memref<320000x128xf32, #tpu.memory_space<hbm>> -> memref<128x128xf32, #tpu.memory_space<hbm>>
      %dma_wait3A_253 = tpu.memref_slice %arg9[%dma_wait3A_246] : memref<7x!tpu.dma_semaphore, #tpu.memory_space<semaphore_mem>> -> memref<1x!tpu.dma_semaphore, #tpu.memory_space<semaphore_mem>>
      %dma_wait3A_254 = tpu.memref_squeeze %dma_wait3A_253 : memref<1x!tpu.dma_semaphore, #tpu.memory_space<semaphore_mem>> -> memref<!tpu.dma_semaphore, #tpu.memory_space<semaphore_mem>>
      %dma_wait3A_255 = arith.constant 0 : i32
      %dma_wait3A_256 = arith.constant 0 : i32
      %dma_wait3A_257 = tpu.memref_slice %arg5[%dma_wait3A_245, %dma_wait3A_255, %dma_wait3A_256] : memref<6x128x128xf32, #tpu.memory_space<vmem>> -> memref<1x128x128xf32, #tpu.memory_space<vmem>>
      %dma_wait3A_258 = tpu.memref_squeeze %dma_wait3A_257 : memref<1x128x128xf32, #tpu.memory_space<vmem>> -> memref<128x128xf32, #tpu.memory_space<vmem>>
      %dma_wait3A_259 = arith.constant 0 : i32
      %dma_wait3A_260 = tpu.memref_slice %arg2[%add3A_244, %dma_wait3A_259] : memref<320000x128xf32, #tpu.memory_space<hbm>> -> memref<128x128xf32, #tpu.memory_space<hbm>>
      tpu.wait_dma2 semaphore(%dma_wait3A_254 : memref<!tpu.dma_semaphore, #tpu.memory_space<semaphore_mem>>) src(%dma_wait3A_260 : memref<128x128xf32, #tpu.memory_space<hbm>>) dst(%dma_wait3A_258 : memref<128x128xf32, #tpu.memory_space<vmem>>)
      %dma_start3A_261 = arith.constant 1 : i32
      %dma_start3A_262 = arith.constant 1 : i32
      %dma_start3A_263 = arith.constant 0 : i32
      %dma_start3A_264 = arith.constant 0 : i32
      %dma_start3A_265 = tpu.memref_slice %arg5[%dma_start3A_261, %dma_start3A_263, %dma_start3A_264] : memref<6x128x128xf32, #tpu.memory_space<vmem>> -> memref<1x128x128xf32, #tpu.memory_space<vmem>>
      %dma_start3A_266 = tpu.memref_squeeze %dma_start3A_265 : memref<1x128x128xf32, #tpu.memory_space<vmem>> -> memref<128x128xf32, #tpu.memory_space<vmem>>
      %dma_start3A_267 = arith.constant 0 : i32
      %dma_start3A_268 = tpu.memref_slice %arg6[%add3A_241, %dma_start3A_267] : memref<55x128xi32, #tpu.memory_space<vmem>> -> memref<1x128xi32, #tpu.memory_space<vmem>>
      %dma_start3A_269 = tpu.memref_squeeze %dma_start3A_268 : memref<1x128xi32, #tpu.memory_space<vmem>> -> memref<128xi32, #tpu.memory_space<vmem>>
      %dma_start3A_270 = arith.constant 0 : i32
      %dma_start3A_271 = arith.constant 0 : i32
      %dma_start3A_272 = tpu.memref_slice %arg8[%dma_start3A_270, %dma_start3A_271] : memref<512x128xf32, #tpu.memory_space<vmem_shared>> -> memref<512x128xf32, #tpu.memory_space<vmem_shared>>
      %dma_start3A_273 = tpu.memref_slice %arg10[%dma_start3A_262] : memref<6x!tpu.dma_semaphore, #tpu.memory_space<semaphore_mem>> -> memref<1x!tpu.dma_semaphore, #tpu.memory_space<semaphore_mem>>
      %dma_start3A_274 = tpu.memref_squeeze %dma_start3A_273 : memref<1x!tpu.dma_semaphore, #tpu.memory_space<semaphore_mem>> -> memref<!tpu.dma_semaphore, #tpu.memory_space<semaphore_mem>>
      tpu.enqueue_indirect_dma source(%dma_start3A_266 : memref<128x128xf32, #tpu.memory_space<vmem>>) target(%dma_start3A_272 : memref<512x128xf32, #tpu.memory_space<vmem_shared>>) offsets(%dma_start3A_269 : memref<128xi32, #tpu.memory_space<vmem>>) semaphore(%dma_start3A_274 : memref<!tpu.dma_semaphore, #tpu.memory_space<semaphore_mem>>) {add = true}
      %mul3A_275 = arith.constant 6 : i32
      %mul3A_276 = arith.muli %mul3A_275, %scan3A_200 : i32
      %add3A_277 = arith.constant 2 : i32
      %add3A_278 = arith.addi %mul3A_276, %add3A_277 : i32
      %mul3A_279 = arith.constant 128 : i32
      %mul3A_280 = arith.muli %add3A_278, %mul3A_279 : i32
      %add3A_281 = arith.addi %add3A_4, %mul3A_280 : i32
      %dma_wait3A_282 = arith.constant 2 : i32
      %dma_wait3A_283 = arith.constant 2 : i32
      %dma_wait3A_284 = arith.constant 0 : i32
      %dma_wait3A_285 = arith.constant 0 : i32
      %dma_wait3A_286 = tpu.memref_slice %arg5[%dma_wait3A_282, %dma_wait3A_284, %dma_wait3A_285] : memref<6x128x128xf32, #tpu.memory_space<vmem>> -> memref<1x128x128xf32, #tpu.memory_space<vmem>>
      %dma_wait3A_287 = tpu.memref_squeeze %dma_wait3A_286 : memref<1x128x128xf32, #tpu.memory_space<vmem>> -> memref<128x128xf32, #tpu.memory_space<vmem>>
      %dma_wait3A_288 = arith.constant 0 : i32
      %dma_wait3A_289 = tpu.memref_slice %arg2[%add3A_281, %dma_wait3A_288] : memref<320000x128xf32, #tpu.memory_space<hbm>> -> memref<128x128xf32, #tpu.memory_space<hbm>>
      %dma_wait3A_290 = tpu.memref_slice %arg9[%dma_wait3A_283] : memref<7x!tpu.dma_semaphore, #tpu.memory_space<semaphore_mem>> -> memref<1x!tpu.dma_semaphore, #tpu.memory_space<semaphore_mem>>
      %dma_wait3A_291 = tpu.memref_squeeze %dma_wait3A_290 : memref<1x!tpu.dma_semaphore, #tpu.memory_space<semaphore_mem>> -> memref<!tpu.dma_semaphore, #tpu.memory_space<semaphore_mem>>
      %dma_wait3A_292 = arith.constant 0 : i32
      %dma_wait3A_293 = arith.constant 0 : i32
      %dma_wait3A_294 = tpu.memref_slice %arg5[%dma_wait3A_282, %dma_wait3A_292, %dma_wait3A_293] : memref<6x128x128xf32, #tpu.memory_space<vmem>> -> memref<1x128x128xf32, #tpu.memory_space<vmem>>
      %dma_wait3A_295 = tpu.memref_squeeze %dma_wait3A_294 : memref<1x128x128xf32, #tpu.memory_space<vmem>> -> memref<128x128xf32, #tpu.memory_space<vmem>>
      %dma_wait3A_296 = arith.constant 0 : i32
      %dma_wait3A_297 = tpu.memref_slice %arg2[%add3A_281, %dma_wait3A_296] : memref<320000x128xf32, #tpu.memory_space<hbm>> -> memref<128x128xf32, #tpu.memory_space<hbm>>
      tpu.wait_dma2 semaphore(%dma_wait3A_291 : memref<!tpu.dma_semaphore, #tpu.memory_space<semaphore_mem>>) src(%dma_wait3A_297 : memref<128x128xf32, #tpu.memory_space<hbm>>) dst(%dma_wait3A_295 : memref<128x128xf32, #tpu.memory_space<vmem>>)
      %dma_start3A_298 = arith.constant 2 : i32
      %dma_start3A_299 = arith.constant 2 : i32
      %dma_start3A_300 = arith.constant 0 : i32
      %dma_start3A_301 = arith.constant 0 : i32
      %dma_start3A_302 = tpu.memref_slice %arg5[%dma_start3A_298, %dma_start3A_300, %dma_start3A_301] : memref<6x128x128xf32, #tpu.memory_space<vmem>> -> memref<1x128x128xf32, #tpu.memory_space<vmem>>
      %dma_start3A_303 = tpu.memref_squeeze %dma_start3A_302 : memref<1x128x128xf32, #tpu.memory_space<vmem>> -> memref<128x128xf32, #tpu.memory_space<vmem>>
      %dma_start3A_304 = arith.constant 0 : i32
      %dma_start3A_305 = tpu.memref_slice %arg6[%add3A_278, %dma_start3A_304] : memref<55x128xi32, #tpu.memory_space<vmem>> -> memref<1x128xi32, #tpu.memory_space<vmem>>
      %dma_start3A_306 = tpu.memref_squeeze %dma_start3A_305 : memref<1x128xi32, #tpu.memory_space<vmem>> -> memref<128xi32, #tpu.memory_space<vmem>>
      %dma_start3A_307 = arith.constant 0 : i32
      %dma_start3A_308 = arith.constant 0 : i32
      %dma_start3A_309 = tpu.memref_slice %arg8[%dma_start3A_307, %dma_start3A_308] : memref<512x128xf32, #tpu.memory_space<vmem_shared>> -> memref<512x128xf32, #tpu.memory_space<vmem_shared>>
      %dma_start3A_310 = tpu.memref_slice %arg10[%dma_start3A_299] : memref<6x!tpu.dma_semaphore, #tpu.memory_space<semaphore_mem>> -> memref<1x!tpu.dma_semaphore, #tpu.memory_space<semaphore_mem>>
      %dma_start3A_311 = tpu.memref_squeeze %dma_start3A_310 : memref<1x!tpu.dma_semaphore, #tpu.memory_space<semaphore_mem>> -> memref<!tpu.dma_semaphore, #tpu.memory_space<semaphore_mem>>
      tpu.enqueue_indirect_dma source(%dma_start3A_303 : memref<128x128xf32, #tpu.memory_space<vmem>>) target(%dma_start3A_309 : memref<512x128xf32, #tpu.memory_space<vmem_shared>>) offsets(%dma_start3A_306 : memref<128xi32, #tpu.memory_space<vmem>>) semaphore(%dma_start3A_311 : memref<!tpu.dma_semaphore, #tpu.memory_space<semaphore_mem>>) {add = true}
      %mul3A_312 = arith.constant 6 : i32
      %mul3A_313 = arith.muli %mul3A_312, %scan3A_200 : i32
      %add3A_314 = arith.constant 3 : i32
      %add3A_315 = arith.addi %mul3A_313, %add3A_314 : i32
      %mul3A_316 = arith.constant 128 : i32
      %mul3A_317 = arith.muli %add3A_315, %mul3A_316 : i32
      %add3A_318 = arith.addi %add3A_4, %mul3A_317 : i32
      %dma_wait3A_319 = arith.constant 3 : i32
      %dma_wait3A_320 = arith.constant 3 : i32
      %dma_wait3A_321 = arith.constant 0 : i32
      %dma_wait3A_322 = arith.constant 0 : i32
      %dma_wait3A_323 = tpu.memref_slice %arg5[%dma_wait3A_319, %dma_wait3A_321, %dma_wait3A_322] : memref<6x128x128xf32, #tpu.memory_space<vmem>> -> memref<1x128x128xf32, #tpu.memory_space<vmem>>
      %dma_wait3A_324 = tpu.memref_squeeze %dma_wait3A_323 : memref<1x128x128xf32, #tpu.memory_space<vmem>> -> memref<128x128xf32, #tpu.memory_space<vmem>>
      %dma_wait3A_325 = arith.constant 0 : i32
      %dma_wait3A_326 = tpu.memref_slice %arg2[%add3A_318, %dma_wait3A_325] : memref<320000x128xf32, #tpu.memory_space<hbm>> -> memref<128x128xf32, #tpu.memory_space<hbm>>
      %dma_wait3A_327 = tpu.memref_slice %arg9[%dma_wait3A_320] : memref<7x!tpu.dma_semaphore, #tpu.memory_space<semaphore_mem>> -> memref<1x!tpu.dma_semaphore, #tpu.memory_space<semaphore_mem>>
      %dma_wait3A_328 = tpu.memref_squeeze %dma_wait3A_327 : memref<1x!tpu.dma_semaphore, #tpu.memory_space<semaphore_mem>> -> memref<!tpu.dma_semaphore, #tpu.memory_space<semaphore_mem>>
      %dma_wait3A_329 = arith.constant 0 : i32
      %dma_wait3A_330 = arith.constant 0 : i32
      %dma_wait3A_331 = tpu.memref_slice %arg5[%dma_wait3A_319, %dma_wait3A_329, %dma_wait3A_330] : memref<6x128x128xf32, #tpu.memory_space<vmem>> -> memref<1x128x128xf32, #tpu.memory_space<vmem>>
      %dma_wait3A_332 = tpu.memref_squeeze %dma_wait3A_331 : memref<1x128x128xf32, #tpu.memory_space<vmem>> -> memref<128x128xf32, #tpu.memory_space<vmem>>
      %dma_wait3A_333 = arith.constant 0 : i32
      %dma_wait3A_334 = tpu.memref_slice %arg2[%add3A_318, %dma_wait3A_333] : memref<320000x128xf32, #tpu.memory_space<hbm>> -> memref<128x128xf32, #tpu.memory_space<hbm>>
      tpu.wait_dma2 semaphore(%dma_wait3A_328 : memref<!tpu.dma_semaphore, #tpu.memory_space<semaphore_mem>>) src(%dma_wait3A_334 : memref<128x128xf32, #tpu.memory_space<hbm>>) dst(%dma_wait3A_332 : memref<128x128xf32, #tpu.memory_space<vmem>>)
      %dma_start3A_335 = arith.constant 3 : i32
      %dma_start3A_336 = arith.constant 3 : i32
      %dma_start3A_337 = arith.constant 0 : i32
      %dma_start3A_338 = arith.constant 0 : i32
      %dma_start3A_339 = tpu.memref_slice %arg5[%dma_start3A_335, %dma_start3A_337, %dma_start3A_338] : memref<6x128x128xf32, #tpu.memory_space<vmem>> -> memref<1x128x128xf32, #tpu.memory_space<vmem>>
      %dma_start3A_340 = tpu.memref_squeeze %dma_start3A_339 : memref<1x128x128xf32, #tpu.memory_space<vmem>> -> memref<128x128xf32, #tpu.memory_space<vmem>>
      %dma_start3A_341 = arith.constant 0 : i32
      %dma_start3A_342 = tpu.memref_slice %arg6[%add3A_315, %dma_start3A_341] : memref<55x128xi32, #tpu.memory_space<vmem>> -> memref<1x128xi32, #tpu.memory_space<vmem>>
      %dma_start3A_343 = tpu.memref_squeeze %dma_start3A_342 : memref<1x128xi32, #tpu.memory_space<vmem>> -> memref<128xi32, #tpu.memory_space<vmem>>
      %dma_start3A_344 = arith.constant 0 : i32
      %dma_start3A_345 = arith.constant 0 : i32
      %dma_start3A_346 = tpu.memref_slice %arg8[%dma_start3A_344, %dma_start3A_345] : memref<512x128xf32, #tpu.memory_space<vmem_shared>> -> memref<512x128xf32, #tpu.memory_space<vmem_shared>>
      %dma_start3A_347 = tpu.memref_slice %arg10[%dma_start3A_336] : memref<6x!tpu.dma_semaphore, #tpu.memory_space<semaphore_mem>> -> memref<1x!tpu.dma_semaphore, #tpu.memory_space<semaphore_mem>>
      %dma_start3A_348 = tpu.memref_squeeze %dma_start3A_347 : memref<1x!tpu.dma_semaphore, #tpu.memory_space<semaphore_mem>> -> memref<!tpu.dma_semaphore, #tpu.memory_space<semaphore_mem>>
      tpu.enqueue_indirect_dma source(%dma_start3A_340 : memref<128x128xf32, #tpu.memory_space<vmem>>) target(%dma_start3A_346 : memref<512x128xf32, #tpu.memory_space<vmem_shared>>) offsets(%dma_start3A_343 : memref<128xi32, #tpu.memory_space<vmem>>) semaphore(%dma_start3A_348 : memref<!tpu.dma_semaphore, #tpu.memory_space<semaphore_mem>>) {add = true}
      %mul3A_349 = arith.constant 6 : i32
      %mul3A_350 = arith.muli %mul3A_349, %scan3A_200 : i32
      %add3A_351 = arith.constant 4 : i32
      %add3A_352 = arith.addi %mul3A_350, %add3A_351 : i32
      %mul3A_353 = arith.constant 128 : i32
      %mul3A_354 = arith.muli %add3A_352, %mul3A_353 : i32
      %add3A_355 = arith.addi %add3A_4, %mul3A_354 : i32
      %dma_wait3A_356 = arith.constant 4 : i32
      %dma_wait3A_357 = arith.constant 4 : i32
      %dma_wait3A_358 = arith.constant 0 : i32
      %dma_wait3A_359 = arith.constant 0 : i32
      %dma_wait3A_360 = tpu.memref_slice %arg5[%dma_wait3A_356, %dma_wait3A_358, %dma_wait3A_359] : memref<6x128x128xf32, #tpu.memory_space<vmem>> -> memref<1x128x128xf32, #tpu.memory_space<vmem>>
      %dma_wait3A_361 = tpu.memref_squeeze %dma_wait3A_360 : memref<1x128x128xf32, #tpu.memory_space<vmem>> -> memref<128x128xf32, #tpu.memory_space<vmem>>
      %dma_wait3A_362 = arith.constant 0 : i32
      %dma_wait3A_363 = tpu.memref_slice %arg2[%add3A_355, %dma_wait3A_362] : memref<320000x128xf32, #tpu.memory_space<hbm>> -> memref<128x128xf32, #tpu.memory_space<hbm>>
      %dma_wait3A_364 = tpu.memref_slice %arg9[%dma_wait3A_357] : memref<7x!tpu.dma_semaphore, #tpu.memory_space<semaphore_mem>> -> memref<1x!tpu.dma_semaphore, #tpu.memory_space<semaphore_mem>>
      %dma_wait3A_365 = tpu.memref_squeeze %dma_wait3A_364 : memref<1x!tpu.dma_semaphore, #tpu.memory_space<semaphore_mem>> -> memref<!tpu.dma_semaphore, #tpu.memory_space<semaphore_mem>>
      %dma_wait3A_366 = arith.constant 0 : i32
      %dma_wait3A_367 = arith.constant 0 : i32
      %dma_wait3A_368 = tpu.memref_slice %arg5[%dma_wait3A_356, %dma_wait3A_366, %dma_wait3A_367] : memref<6x128x128xf32, #tpu.memory_space<vmem>> -> memref<1x128x128xf32, #tpu.memory_space<vmem>>
      %dma_wait3A_369 = tpu.memref_squeeze %dma_wait3A_368 : memref<1x128x128xf32, #tpu.memory_space<vmem>> -> memref<128x128xf32, #tpu.memory_space<vmem>>
      %dma_wait3A_370 = arith.constant 0 : i32
      %dma_wait3A_371 = tpu.memref_slice %arg2[%add3A_355, %dma_wait3A_370] : memref<320000x128xf32, #tpu.memory_space<hbm>> -> memref<128x128xf32, #tpu.memory_space<hbm>>
      tpu.wait_dma2 semaphore(%dma_wait3A_365 : memref<!tpu.dma_semaphore, #tpu.memory_space<semaphore_mem>>) src(%dma_wait3A_371 : memref<128x128xf32, #tpu.memory_space<hbm>>) dst(%dma_wait3A_369 : memref<128x128xf32, #tpu.memory_space<vmem>>)
      %dma_start3A_372 = arith.constant 4 : i32
      %dma_start3A_373 = arith.constant 4 : i32
      %dma_start3A_374 = arith.constant 0 : i32
      %dma_start3A_375 = arith.constant 0 : i32
      %dma_start3A_376 = tpu.memref_slice %arg5[%dma_start3A_372, %dma_start3A_374, %dma_start3A_375] : memref<6x128x128xf32, #tpu.memory_space<vmem>> -> memref<1x128x128xf32, #tpu.memory_space<vmem>>
      %dma_start3A_377 = tpu.memref_squeeze %dma_start3A_376 : memref<1x128x128xf32, #tpu.memory_space<vmem>> -> memref<128x128xf32, #tpu.memory_space<vmem>>
      %dma_start3A_378 = arith.constant 0 : i32
      %dma_start3A_379 = tpu.memref_slice %arg6[%add3A_352, %dma_start3A_378] : memref<55x128xi32, #tpu.memory_space<vmem>> -> memref<1x128xi32, #tpu.memory_space<vmem>>
      %dma_start3A_380 = tpu.memref_squeeze %dma_start3A_379 : memref<1x128xi32, #tpu.memory_space<vmem>> -> memref<128xi32, #tpu.memory_space<vmem>>
      %dma_start3A_381 = arith.constant 0 : i32
      %dma_start3A_382 = arith.constant 0 : i32
      %dma_start3A_383 = tpu.memref_slice %arg8[%dma_start3A_381, %dma_start3A_382] : memref<512x128xf32, #tpu.memory_space<vmem_shared>> -> memref<512x128xf32, #tpu.memory_space<vmem_shared>>
      %dma_start3A_384 = tpu.memref_slice %arg10[%dma_start3A_373] : memref<6x!tpu.dma_semaphore, #tpu.memory_space<semaphore_mem>> -> memref<1x!tpu.dma_semaphore, #tpu.memory_space<semaphore_mem>>
      %dma_start3A_385 = tpu.memref_squeeze %dma_start3A_384 : memref<1x!tpu.dma_semaphore, #tpu.memory_space<semaphore_mem>> -> memref<!tpu.dma_semaphore, #tpu.memory_space<semaphore_mem>>
      tpu.enqueue_indirect_dma source(%dma_start3A_377 : memref<128x128xf32, #tpu.memory_space<vmem>>) target(%dma_start3A_383 : memref<512x128xf32, #tpu.memory_space<vmem_shared>>) offsets(%dma_start3A_380 : memref<128xi32, #tpu.memory_space<vmem>>) semaphore(%dma_start3A_385 : memref<!tpu.dma_semaphore, #tpu.memory_space<semaphore_mem>>) {add = true}
      %mul3A_386 = arith.constant 6 : i32
      %mul3A_387 = arith.muli %mul3A_386, %scan3A_200 : i32
      %add3A_388 = arith.constant 5 : i32
      %add3A_389 = arith.addi %mul3A_387, %add3A_388 : i32
      %mul3A_390 = arith.constant 128 : i32
      %mul3A_391 = arith.muli %add3A_389, %mul3A_390 : i32
      %add3A_392 = arith.addi %add3A_4, %mul3A_391 : i32
      %dma_wait3A_393 = arith.constant 5 : i32
      %dma_wait3A_394 = arith.constant 5 : i32
      %dma_wait3A_395 = arith.constant 0 : i32
      %dma_wait3A_396 = arith.constant 0 : i32
      %dma_wait3A_397 = tpu.memref_slice %arg5[%dma_wait3A_393, %dma_wait3A_395, %dma_wait3A_396] : memref<6x128x128xf32, #tpu.memory_space<vmem>> -> memref<1x128x128xf32, #tpu.memory_space<vmem>>
      %dma_wait3A_398 = tpu.memref_squeeze %dma_wait3A_397 : memref<1x128x128xf32, #tpu.memory_space<vmem>> -> memref<128x128xf32, #tpu.memory_space<vmem>>
      %dma_wait3A_399 = arith.constant 0 : i32
      %dma_wait3A_400 = tpu.memref_slice %arg2[%add3A_392, %dma_wait3A_399] : memref<320000x128xf32, #tpu.memory_space<hbm>> -> memref<128x128xf32, #tpu.memory_space<hbm>>
      %dma_wait3A_401 = tpu.memref_slice %arg9[%dma_wait3A_394] : memref<7x!tpu.dma_semaphore, #tpu.memory_space<semaphore_mem>> -> memref<1x!tpu.dma_semaphore, #tpu.memory_space<semaphore_mem>>
      %dma_wait3A_402 = tpu.memref_squeeze %dma_wait3A_401 : memref<1x!tpu.dma_semaphore, #tpu.memory_space<semaphore_mem>> -> memref<!tpu.dma_semaphore, #tpu.memory_space<semaphore_mem>>
      %dma_wait3A_403 = arith.constant 0 : i32
      %dma_wait3A_404 = arith.constant 0 : i32
      %dma_wait3A_405 = tpu.memref_slice %arg5[%dma_wait3A_393, %dma_wait3A_403, %dma_wait3A_404] : memref<6x128x128xf32, #tpu.memory_space<vmem>> -> memref<1x128x128xf32, #tpu.memory_space<vmem>>
      %dma_wait3A_406 = tpu.memref_squeeze %dma_wait3A_405 : memref<1x128x128xf32, #tpu.memory_space<vmem>> -> memref<128x128xf32, #tpu.memory_space<vmem>>
      %dma_wait3A_407 = arith.constant 0 : i32
      %dma_wait3A_408 = tpu.memref_slice %arg2[%add3A_392, %dma_wait3A_407] : memref<320000x128xf32, #tpu.memory_space<hbm>> -> memref<128x128xf32, #tpu.memory_space<hbm>>
      tpu.wait_dma2 semaphore(%dma_wait3A_402 : memref<!tpu.dma_semaphore, #tpu.memory_space<semaphore_mem>>) src(%dma_wait3A_408 : memref<128x128xf32, #tpu.memory_space<hbm>>) dst(%dma_wait3A_406 : memref<128x128xf32, #tpu.memory_space<vmem>>)
      %dma_start3A_409 = arith.constant 5 : i32
      %dma_start3A_410 = arith.constant 5 : i32
      %dma_start3A_411 = arith.constant 0 : i32
      %dma_start3A_412 = arith.constant 0 : i32
      %dma_start3A_413 = tpu.memref_slice %arg5[%dma_start3A_409, %dma_start3A_411, %dma_start3A_412] : memref<6x128x128xf32, #tpu.memory_space<vmem>> -> memref<1x128x128xf32, #tpu.memory_space<vmem>>
      %dma_start3A_414 = tpu.memref_squeeze %dma_start3A_413 : memref<1x128x128xf32, #tpu.memory_space<vmem>> -> memref<128x128xf32, #tpu.memory_space<vmem>>
      %dma_start3A_415 = arith.constant 0 : i32
      %dma_start3A_416 = tpu.memref_slice %arg6[%add3A_389, %dma_start3A_415] : memref<55x128xi32, #tpu.memory_space<vmem>> -> memref<1x128xi32, #tpu.memory_space<vmem>>
      %dma_start3A_417 = tpu.memref_squeeze %dma_start3A_416 : memref<1x128xi32, #tpu.memory_space<vmem>> -> memref<128xi32, #tpu.memory_space<vmem>>
      %dma_start3A_418 = arith.constant 0 : i32
      %dma_start3A_419 = arith.constant 0 : i32
      %dma_start3A_420 = tpu.memref_slice %arg8[%dma_start3A_418, %dma_start3A_419] : memref<512x128xf32, #tpu.memory_space<vmem_shared>> -> memref<512x128xf32, #tpu.memory_space<vmem_shared>>
      %dma_start3A_421 = tpu.memref_slice %arg10[%dma_start3A_410] : memref<6x!tpu.dma_semaphore, #tpu.memory_space<semaphore_mem>> -> memref<1x!tpu.dma_semaphore, #tpu.memory_space<semaphore_mem>>
      %dma_start3A_422 = tpu.memref_squeeze %dma_start3A_421 : memref<1x!tpu.dma_semaphore, #tpu.memory_space<semaphore_mem>> -> memref<!tpu.dma_semaphore, #tpu.memory_space<semaphore_mem>>
      tpu.enqueue_indirect_dma source(%dma_start3A_414 : memref<128x128xf32, #tpu.memory_space<vmem>>) target(%dma_start3A_420 : memref<512x128xf32, #tpu.memory_space<vmem_shared>>) offsets(%dma_start3A_417 : memref<128xi32, #tpu.memory_space<vmem>>) semaphore(%dma_start3A_422 : memref<!tpu.dma_semaphore, #tpu.memory_space<semaphore_mem>>) {add = true}
      %mul3A_423 = arith.constant 6 : i32
      %mul3A_424 = arith.muli %mul3A_423, %scan3A_200 : i32
      %add3A_425 = arith.constant 0 : i32
      %add3A_426 = arith.addi %mul3A_424, %add3A_425 : i32
      %dma_wait3A_427 = arith.constant 0 : i32
      %dma_wait3A_428 = arith.constant 0 : i32
      %dma_wait3A_429 = arith.constant 0 : i32
      %dma_wait3A_430 = arith.constant 0 : i32
      %dma_wait3A_431 = tpu.memref_slice %arg5[%dma_wait3A_427, %dma_wait3A_429, %dma_wait3A_430] : memref<6x128x128xf32, #tpu.memory_space<vmem>> -> memref<1x128x128xf32, #tpu.memory_space<vmem>>
      %dma_wait3A_432 = tpu.memref_squeeze %dma_wait3A_431 : memref<1x128x128xf32, #tpu.memory_space<vmem>> -> memref<128x128xf32, #tpu.memory_space<vmem>>
      %dma_wait3A_433 = arith.constant 0 : i32
      %dma_wait3A_434 = tpu.memref_slice %arg6[%add3A_426, %dma_wait3A_433] : memref<55x128xi32, #tpu.memory_space<vmem>> -> memref<1x128xi32, #tpu.memory_space<vmem>>
      %dma_wait3A_435 = tpu.memref_squeeze %dma_wait3A_434 : memref<1x128xi32, #tpu.memory_space<vmem>> -> memref<128xi32, #tpu.memory_space<vmem>>
      %dma_wait3A_436 = arith.constant 0 : i32
      %dma_wait3A_437 = arith.constant 0 : i32
      %dma_wait3A_438 = tpu.memref_slice %arg8[%dma_wait3A_436, %dma_wait3A_437] : memref<512x128xf32, #tpu.memory_space<vmem_shared>> -> memref<512x128xf32, #tpu.memory_space<vmem_shared>>
      %dma_wait3A_439 = tpu.memref_slice %arg10[%dma_wait3A_428] : memref<6x!tpu.dma_semaphore, #tpu.memory_space<semaphore_mem>> -> memref<1x!tpu.dma_semaphore, #tpu.memory_space<semaphore_mem>>
      %dma_wait3A_440 = tpu.memref_squeeze %dma_wait3A_439 : memref<1x!tpu.dma_semaphore, #tpu.memory_space<semaphore_mem>> -> memref<!tpu.dma_semaphore, #tpu.memory_space<semaphore_mem>>
      tpu.wait_indirect_dma semaphore(%dma_wait3A_440 : memref<!tpu.dma_semaphore, #tpu.memory_space<semaphore_mem>>) src(%dma_wait3A_432 : memref<128x128xf32, #tpu.memory_space<vmem>>) dst(%dma_wait3A_438 : memref<512x128xf32, #tpu.memory_space<vmem_shared>>)
      %add3A_441 = arith.constant 6 : i32
      %add3A_442 = arith.addi %add3A_426, %add3A_441 : i32
      %lt3A = arith.constant 55 : i32
      %lt3A_443 = arith.cmpi slt, %add3A_442, %lt3A : i32
      %convert_element_type3A = arith.extui %lt3A_443 : i1 to i32
      %cond3A = arith.constant 0 : i32
      %cond3A_444 = arith.cmpi ne, %convert_element_type3A, %cond3A : i32
      scf.if %cond3A_444 {
        %add3A_570 = arith.constant 6 : i32
        %add3A_571 = arith.addi %add3A_426, %add3A_570 : i32
        %mul3A_572 = arith.constant 128 : i32
        %mul3A_573 = arith.muli %add3A_571, %mul3A_572 : i32
        %add3A_574 = arith.addi %add3A_4, %mul3A_573 : i32
        %dma_start3A_575 = arith.constant 0 : i32
        %dma_start3A_576 = arith.constant 0 : i32
        %dma_start3A_577 = arith.constant 0 : i32
        %dma_start3A_578 = arith.constant 0 : i32
        %dma_start3A_579 = tpu.memref_slice %arg5[%dma_start3A_575, %dma_start3A_577, %dma_start3A_578] : memref<6x128x128xf32, #tpu.memory_space<vmem>> -> memref<1x128x128xf32, #tpu.memory_space<vmem>>
        %dma_start3A_580 = tpu.memref_squeeze %dma_start3A_579 : memref<1x128x128xf32, #tpu.memory_space<vmem>> -> memref<128x128xf32, #tpu.memory_space<vmem>>
        %dma_start3A_581 = arith.constant 0 : i32
        %dma_start3A_582 = tpu.memref_slice %arg2[%add3A_574, %dma_start3A_581] : memref<320000x128xf32, #tpu.memory_space<hbm>> -> memref<128x128xf32, #tpu.memory_space<hbm>>
        %dma_start3A_583 = tpu.memref_slice %arg9[%dma_start3A_576] : memref<7x!tpu.dma_semaphore, #tpu.memory_space<semaphore_mem>> -> memref<1x!tpu.dma_semaphore, #tpu.memory_space<semaphore_mem>>
        %dma_start3A_584 = tpu.memref_squeeze %dma_start3A_583 : memref<1x!tpu.dma_semaphore, #tpu.memory_space<semaphore_mem>> -> memref<!tpu.dma_semaphore, #tpu.memory_space<semaphore_mem>>
        %dma_start3A_585 = arith.constant 0 : i32
        %dma_start3A_586 = arith.constant 0 : i32
        %dma_start3A_587 = tpu.memref_slice %arg5[%dma_start3A_575, %dma_start3A_585, %dma_start3A_586] : memref<6x128x128xf32, #tpu.memory_space<vmem>> -> memref<1x128x128xf32, #tpu.memory_space<vmem>>
        %dma_start3A_588 = tpu.memref_squeeze %dma_start3A_587 : memref<1x128x128xf32, #tpu.memory_space<vmem>> -> memref<128x128xf32, #tpu.memory_space<vmem>>
        %dma_start3A_589 = arith.constant 0 : i32
        %dma_start3A_590 = tpu.memref_slice %arg2[%add3A_574, %dma_start3A_589] : memref<320000x128xf32, #tpu.memory_space<hbm>> -> memref<128x128xf32, #tpu.memory_space<hbm>>
        tpu.enqueue_dma source(%dma_start3A_590 : memref<128x128xf32, #tpu.memory_space<hbm>>) target(%dma_start3A_588 : memref<128x128xf32, #tpu.memory_space<vmem>>) target_semaphore(%dma_start3A_584 : memref<!tpu.dma_semaphore, #tpu.memory_space<semaphore_mem>>)
      } else {
      }
      %mul3A_445 = arith.constant 6 : i32
      %mul3A_446 = arith.muli %mul3A_445, %scan3A_200 : i32
      %add3A_447 = arith.constant 1 : i32
      %add3A_448 = arith.addi %mul3A_446, %add3A_447 : i32
      %dma_wait3A_449 = arith.constant 1 : i32
      %dma_wait3A_450 = arith.constant 1 : i32
      %dma_wait3A_451 = arith.constant 0 : i32
      %dma_wait3A_452 = arith.constant 0 : i32
      %dma_wait3A_453 = tpu.memref_slice %arg5[%dma_wait3A_449, %dma_wait3A_451, %dma_wait3A_452] : memref<6x128x128xf32, #tpu.memory_space<vmem>> -> memref<1x128x128xf32, #tpu.memory_space<vmem>>
      %dma_wait3A_454 = tpu.memref_squeeze %dma_wait3A_453 : memref<1x128x128xf32, #tpu.memory_space<vmem>> -> memref<128x128xf32, #tpu.memory_space<vmem>>
      %dma_wait3A_455 = arith.constant 0 : i32
      %dma_wait3A_456 = tpu.memref_slice %arg6[%add3A_448, %dma_wait3A_455] : memref<55x128xi32, #tpu.memory_space<vmem>> -> memref<1x128xi32, #tpu.memory_space<vmem>>
      %dma_wait3A_457 = tpu.memref_squeeze %dma_wait3A_456 : memref<1x128xi32, #tpu.memory_space<vmem>> -> memref<128xi32, #tpu.memory_space<vmem>>
      %dma_wait3A_458 = arith.constant 0 : i32
      %dma_wait3A_459 = arith.constant 0 : i32
      %dma_wait3A_460 = tpu.memref_slice %arg8[%dma_wait3A_458, %dma_wait3A_459] : memref<512x128xf32, #tpu.memory_space<vmem_shared>> -> memref<512x128xf32, #tpu.memory_space<vmem_shared>>
      %dma_wait3A_461 = tpu.memref_slice %arg10[%dma_wait3A_450] : memref<6x!tpu.dma_semaphore, #tpu.memory_space<semaphore_mem>> -> memref<1x!tpu.dma_semaphore, #tpu.memory_space<semaphore_mem>>
      %dma_wait3A_462 = tpu.memref_squeeze %dma_wait3A_461 : memref<1x!tpu.dma_semaphore, #tpu.memory_space<semaphore_mem>> -> memref<!tpu.dma_semaphore, #tpu.memory_space<semaphore_mem>>
      tpu.wait_indirect_dma semaphore(%dma_wait3A_462 : memref<!tpu.dma_semaphore, #tpu.memory_space<semaphore_mem>>) src(%dma_wait3A_454 : memref<128x128xf32, #tpu.memory_space<vmem>>) dst(%dma_wait3A_460 : memref<512x128xf32, #tpu.memory_space<vmem_shared>>)
      %add3A_463 = arith.constant 6 : i32
      %add3A_464 = arith.addi %add3A_448, %add3A_463 : i32
      %lt3A_465 = arith.constant 55 : i32
      %lt3A_466 = arith.cmpi slt, %add3A_464, %lt3A_465 : i32
      %convert_element_type3A_467 = arith.extui %lt3A_466 : i1 to i32
      %cond3A_468 = arith.constant 0 : i32
      %cond3A_469 = arith.cmpi ne, %convert_element_type3A_467, %cond3A_468 : i32
      scf.if %cond3A_469 {
        %add3A_570 = arith.constant 6 : i32
        %add3A_571 = arith.addi %add3A_448, %add3A_570 : i32
        %mul3A_572 = arith.constant 128 : i32
        %mul3A_573 = arith.muli %add3A_571, %mul3A_572 : i32
        %add3A_574 = arith.addi %add3A_4, %mul3A_573 : i32
        %dma_start3A_575 = arith.constant 1 : i32
        %dma_start3A_576 = arith.constant 1 : i32
        %dma_start3A_577 = arith.constant 0 : i32
        %dma_start3A_578 = arith.constant 0 : i32
        %dma_start3A_579 = tpu.memref_slice %arg5[%dma_start3A_575, %dma_start3A_577, %dma_start3A_578] : memref<6x128x128xf32, #tpu.memory_space<vmem>> -> memref<1x128x128xf32, #tpu.memory_space<vmem>>
        %dma_start3A_580 = tpu.memref_squeeze %dma_start3A_579 : memref<1x128x128xf32, #tpu.memory_space<vmem>> -> memref<128x128xf32, #tpu.memory_space<vmem>>
        %dma_start3A_581 = arith.constant 0 : i32
        %dma_start3A_582 = tpu.memref_slice %arg2[%add3A_574, %dma_start3A_581] : memref<320000x128xf32, #tpu.memory_space<hbm>> -> memref<128x128xf32, #tpu.memory_space<hbm>>
        %dma_start3A_583 = tpu.memref_slice %arg9[%dma_start3A_576] : memref<7x!tpu.dma_semaphore, #tpu.memory_space<semaphore_mem>> -> memref<1x!tpu.dma_semaphore, #tpu.memory_space<semaphore_mem>>
        %dma_start3A_584 = tpu.memref_squeeze %dma_start3A_583 : memref<1x!tpu.dma_semaphore, #tpu.memory_space<semaphore_mem>> -> memref<!tpu.dma_semaphore, #tpu.memory_space<semaphore_mem>>
        %dma_start3A_585 = arith.constant 0 : i32
        %dma_start3A_586 = arith.constant 0 : i32
        %dma_start3A_587 = tpu.memref_slice %arg5[%dma_start3A_575, %dma_start3A_585, %dma_start3A_586] : memref<6x128x128xf32, #tpu.memory_space<vmem>> -> memref<1x128x128xf32, #tpu.memory_space<vmem>>
        %dma_start3A_588 = tpu.memref_squeeze %dma_start3A_587 : memref<1x128x128xf32, #tpu.memory_space<vmem>> -> memref<128x128xf32, #tpu.memory_space<vmem>>
        %dma_start3A_589 = arith.constant 0 : i32
        %dma_start3A_590 = tpu.memref_slice %arg2[%add3A_574, %dma_start3A_589] : memref<320000x128xf32, #tpu.memory_space<hbm>> -> memref<128x128xf32, #tpu.memory_space<hbm>>
        tpu.enqueue_dma source(%dma_start3A_590 : memref<128x128xf32, #tpu.memory_space<hbm>>) target(%dma_start3A_588 : memref<128x128xf32, #tpu.memory_space<vmem>>) target_semaphore(%dma_start3A_584 : memref<!tpu.dma_semaphore, #tpu.memory_space<semaphore_mem>>)
      } else {
      }
      %mul3A_470 = arith.constant 6 : i32
      %mul3A_471 = arith.muli %mul3A_470, %scan3A_200 : i32
      %add3A_472 = arith.constant 2 : i32
      %add3A_473 = arith.addi %mul3A_471, %add3A_472 : i32
      %dma_wait3A_474 = arith.constant 2 : i32
      %dma_wait3A_475 = arith.constant 2 : i32
      %dma_wait3A_476 = arith.constant 0 : i32
      %dma_wait3A_477 = arith.constant 0 : i32
      %dma_wait3A_478 = tpu.memref_slice %arg5[%dma_wait3A_474, %dma_wait3A_476, %dma_wait3A_477] : memref<6x128x128xf32, #tpu.memory_space<vmem>> -> memref<1x128x128xf32, #tpu.memory_space<vmem>>
      %dma_wait3A_479 = tpu.memref_squeeze %dma_wait3A_478 : memref<1x128x128xf32, #tpu.memory_space<vmem>> -> memref<128x128xf32, #tpu.memory_space<vmem>>
      %dma_wait3A_480 = arith.constant 0 : i32
      %dma_wait3A_481 = tpu.memref_slice %arg6[%add3A_473, %dma_wait3A_480] : memref<55x128xi32, #tpu.memory_space<vmem>> -> memref<1x128xi32, #tpu.memory_space<vmem>>
      %dma_wait3A_482 = tpu.memref_squeeze %dma_wait3A_481 : memref<1x128xi32, #tpu.memory_space<vmem>> -> memref<128xi32, #tpu.memory_space<vmem>>
      %dma_wait3A_483 = arith.constant 0 : i32
      %dma_wait3A_484 = arith.constant 0 : i32
      %dma_wait3A_485 = tpu.memref_slice %arg8[%dma_wait3A_483, %dma_wait3A_484] : memref<512x128xf32, #tpu.memory_space<vmem_shared>> -> memref<512x128xf32, #tpu.memory_space<vmem_shared>>
      %dma_wait3A_486 = tpu.memref_slice %arg10[%dma_wait3A_475] : memref<6x!tpu.dma_semaphore, #tpu.memory_space<semaphore_mem>> -> memref<1x!tpu.dma_semaphore, #tpu.memory_space<semaphore_mem>>
      %dma_wait3A_487 = tpu.memref_squeeze %dma_wait3A_486 : memref<1x!tpu.dma_semaphore, #tpu.memory_space<semaphore_mem>> -> memref<!tpu.dma_semaphore, #tpu.memory_space<semaphore_mem>>
      tpu.wait_indirect_dma semaphore(%dma_wait3A_487 : memref<!tpu.dma_semaphore, #tpu.memory_space<semaphore_mem>>) src(%dma_wait3A_479 : memref<128x128xf32, #tpu.memory_space<vmem>>) dst(%dma_wait3A_485 : memref<512x128xf32, #tpu.memory_space<vmem_shared>>)
      %add3A_488 = arith.constant 6 : i32
      %add3A_489 = arith.addi %add3A_473, %add3A_488 : i32
      %lt3A_490 = arith.constant 55 : i32
      %lt3A_491 = arith.cmpi slt, %add3A_489, %lt3A_490 : i32
      %convert_element_type3A_492 = arith.extui %lt3A_491 : i1 to i32
      %cond3A_493 = arith.constant 0 : i32
      %cond3A_494 = arith.cmpi ne, %convert_element_type3A_492, %cond3A_493 : i32
      scf.if %cond3A_494 {
        %add3A_570 = arith.constant 6 : i32
        %add3A_571 = arith.addi %add3A_473, %add3A_570 : i32
        %mul3A_572 = arith.constant 128 : i32
        %mul3A_573 = arith.muli %add3A_571, %mul3A_572 : i32
        %add3A_574 = arith.addi %add3A_4, %mul3A_573 : i32
        %dma_start3A_575 = arith.constant 2 : i32
        %dma_start3A_576 = arith.constant 2 : i32
        %dma_start3A_577 = arith.constant 0 : i32
        %dma_start3A_578 = arith.constant 0 : i32
        %dma_start3A_579 = tpu.memref_slice %arg5[%dma_start3A_575, %dma_start3A_577, %dma_start3A_578] : memref<6x128x128xf32, #tpu.memory_space<vmem>> -> memref<1x128x128xf32, #tpu.memory_space<vmem>>
        %dma_start3A_580 = tpu.memref_squeeze %dma_start3A_579 : memref<1x128x128xf32, #tpu.memory_space<vmem>> -> memref<128x128xf32, #tpu.memory_space<vmem>>
        %dma_start3A_581 = arith.constant 0 : i32
        %dma_start3A_582 = tpu.memref_slice %arg2[%add3A_574, %dma_start3A_581] : memref<320000x128xf32, #tpu.memory_space<hbm>> -> memref<128x128xf32, #tpu.memory_space<hbm>>
        %dma_start3A_583 = tpu.memref_slice %arg9[%dma_start3A_576] : memref<7x!tpu.dma_semaphore, #tpu.memory_space<semaphore_mem>> -> memref<1x!tpu.dma_semaphore, #tpu.memory_space<semaphore_mem>>
        %dma_start3A_584 = tpu.memref_squeeze %dma_start3A_583 : memref<1x!tpu.dma_semaphore, #tpu.memory_space<semaphore_mem>> -> memref<!tpu.dma_semaphore, #tpu.memory_space<semaphore_mem>>
        %dma_start3A_585 = arith.constant 0 : i32
        %dma_start3A_586 = arith.constant 0 : i32
        %dma_start3A_587 = tpu.memref_slice %arg5[%dma_start3A_575, %dma_start3A_585, %dma_start3A_586] : memref<6x128x128xf32, #tpu.memory_space<vmem>> -> memref<1x128x128xf32, #tpu.memory_space<vmem>>
        %dma_start3A_588 = tpu.memref_squeeze %dma_start3A_587 : memref<1x128x128xf32, #tpu.memory_space<vmem>> -> memref<128x128xf32, #tpu.memory_space<vmem>>
        %dma_start3A_589 = arith.constant 0 : i32
        %dma_start3A_590 = tpu.memref_slice %arg2[%add3A_574, %dma_start3A_589] : memref<320000x128xf32, #tpu.memory_space<hbm>> -> memref<128x128xf32, #tpu.memory_space<hbm>>
        tpu.enqueue_dma source(%dma_start3A_590 : memref<128x128xf32, #tpu.memory_space<hbm>>) target(%dma_start3A_588 : memref<128x128xf32, #tpu.memory_space<vmem>>) target_semaphore(%dma_start3A_584 : memref<!tpu.dma_semaphore, #tpu.memory_space<semaphore_mem>>)
      } else {
      }
      %mul3A_495 = arith.constant 6 : i32
      %mul3A_496 = arith.muli %mul3A_495, %scan3A_200 : i32
      %add3A_497 = arith.constant 3 : i32
      %add3A_498 = arith.addi %mul3A_496, %add3A_497 : i32
      %dma_wait3A_499 = arith.constant 3 : i32
      %dma_wait3A_500 = arith.constant 3 : i32
      %dma_wait3A_501 = arith.constant 0 : i32
      %dma_wait3A_502 = arith.constant 0 : i32
      %dma_wait3A_503 = tpu.memref_slice %arg5[%dma_wait3A_499, %dma_wait3A_501, %dma_wait3A_502] : memref<6x128x128xf32, #tpu.memory_space<vmem>> -> memref<1x128x128xf32, #tpu.memory_space<vmem>>
      %dma_wait3A_504 = tpu.memref_squeeze %dma_wait3A_503 : memref<1x128x128xf32, #tpu.memory_space<vmem>> -> memref<128x128xf32, #tpu.memory_space<vmem>>
      %dma_wait3A_505 = arith.constant 0 : i32
      %dma_wait3A_506 = tpu.memref_slice %arg6[%add3A_498, %dma_wait3A_505] : memref<55x128xi32, #tpu.memory_space<vmem>> -> memref<1x128xi32, #tpu.memory_space<vmem>>
      %dma_wait3A_507 = tpu.memref_squeeze %dma_wait3A_506 : memref<1x128xi32, #tpu.memory_space<vmem>> -> memref<128xi32, #tpu.memory_space<vmem>>
      %dma_wait3A_508 = arith.constant 0 : i32
      %dma_wait3A_509 = arith.constant 0 : i32
      %dma_wait3A_510 = tpu.memref_slice %arg8[%dma_wait3A_508, %dma_wait3A_509] : memref<512x128xf32, #tpu.memory_space<vmem_shared>> -> memref<512x128xf32, #tpu.memory_space<vmem_shared>>
      %dma_wait3A_511 = tpu.memref_slice %arg10[%dma_wait3A_500] : memref<6x!tpu.dma_semaphore, #tpu.memory_space<semaphore_mem>> -> memref<1x!tpu.dma_semaphore, #tpu.memory_space<semaphore_mem>>
      %dma_wait3A_512 = tpu.memref_squeeze %dma_wait3A_511 : memref<1x!tpu.dma_semaphore, #tpu.memory_space<semaphore_mem>> -> memref<!tpu.dma_semaphore, #tpu.memory_space<semaphore_mem>>
      tpu.wait_indirect_dma semaphore(%dma_wait3A_512 : memref<!tpu.dma_semaphore, #tpu.memory_space<semaphore_mem>>) src(%dma_wait3A_504 : memref<128x128xf32, #tpu.memory_space<vmem>>) dst(%dma_wait3A_510 : memref<512x128xf32, #tpu.memory_space<vmem_shared>>)
      %add3A_513 = arith.constant 6 : i32
      %add3A_514 = arith.addi %add3A_498, %add3A_513 : i32
      %lt3A_515 = arith.constant 55 : i32
      %lt3A_516 = arith.cmpi slt, %add3A_514, %lt3A_515 : i32
      %convert_element_type3A_517 = arith.extui %lt3A_516 : i1 to i32
      %cond3A_518 = arith.constant 0 : i32
      %cond3A_519 = arith.cmpi ne, %convert_element_type3A_517, %cond3A_518 : i32
      scf.if %cond3A_519 {
        %add3A_570 = arith.constant 6 : i32
        %add3A_571 = arith.addi %add3A_498, %add3A_570 : i32
        %mul3A_572 = arith.constant 128 : i32
        %mul3A_573 = arith.muli %add3A_571, %mul3A_572 : i32
        %add3A_574 = arith.addi %add3A_4, %mul3A_573 : i32
        %dma_start3A_575 = arith.constant 3 : i32
        %dma_start3A_576 = arith.constant 3 : i32
        %dma_start3A_577 = arith.constant 0 : i32
        %dma_start3A_578 = arith.constant 0 : i32
        %dma_start3A_579 = tpu.memref_slice %arg5[%dma_start3A_575, %dma_start3A_577, %dma_start3A_578] : memref<6x128x128xf32, #tpu.memory_space<vmem>> -> memref<1x128x128xf32, #tpu.memory_space<vmem>>
        %dma_start3A_580 = tpu.memref_squeeze %dma_start3A_579 : memref<1x128x128xf32, #tpu.memory_space<vmem>> -> memref<128x128xf32, #tpu.memory_space<vmem>>
        %dma_start3A_581 = arith.constant 0 : i32
        %dma_start3A_582 = tpu.memref_slice %arg2[%add3A_574, %dma_start3A_581] : memref<320000x128xf32, #tpu.memory_space<hbm>> -> memref<128x128xf32, #tpu.memory_space<hbm>>
        %dma_start3A_583 = tpu.memref_slice %arg9[%dma_start3A_576] : memref<7x!tpu.dma_semaphore, #tpu.memory_space<semaphore_mem>> -> memref<1x!tpu.dma_semaphore, #tpu.memory_space<semaphore_mem>>
        %dma_start3A_584 = tpu.memref_squeeze %dma_start3A_583 : memref<1x!tpu.dma_semaphore, #tpu.memory_space<semaphore_mem>> -> memref<!tpu.dma_semaphore, #tpu.memory_space<semaphore_mem>>
        %dma_start3A_585 = arith.constant 0 : i32
        %dma_start3A_586 = arith.constant 0 : i32
        %dma_start3A_587 = tpu.memref_slice %arg5[%dma_start3A_575, %dma_start3A_585, %dma_start3A_586] : memref<6x128x128xf32, #tpu.memory_space<vmem>> -> memref<1x128x128xf32, #tpu.memory_space<vmem>>
        %dma_start3A_588 = tpu.memref_squeeze %dma_start3A_587 : memref<1x128x128xf32, #tpu.memory_space<vmem>> -> memref<128x128xf32, #tpu.memory_space<vmem>>
        %dma_start3A_589 = arith.constant 0 : i32
        %dma_start3A_590 = tpu.memref_slice %arg2[%add3A_574, %dma_start3A_589] : memref<320000x128xf32, #tpu.memory_space<hbm>> -> memref<128x128xf32, #tpu.memory_space<hbm>>
        tpu.enqueue_dma source(%dma_start3A_590 : memref<128x128xf32, #tpu.memory_space<hbm>>) target(%dma_start3A_588 : memref<128x128xf32, #tpu.memory_space<vmem>>) target_semaphore(%dma_start3A_584 : memref<!tpu.dma_semaphore, #tpu.memory_space<semaphore_mem>>)
      } else {
      }
      %mul3A_520 = arith.constant 6 : i32
      %mul3A_521 = arith.muli %mul3A_520, %scan3A_200 : i32
      %add3A_522 = arith.constant 4 : i32
      %add3A_523 = arith.addi %mul3A_521, %add3A_522 : i32
      %dma_wait3A_524 = arith.constant 4 : i32
      %dma_wait3A_525 = arith.constant 4 : i32
      %dma_wait3A_526 = arith.constant 0 : i32
      %dma_wait3A_527 = arith.constant 0 : i32
      %dma_wait3A_528 = tpu.memref_slice %arg5[%dma_wait3A_524, %dma_wait3A_526, %dma_wait3A_527] : memref<6x128x128xf32, #tpu.memory_space<vmem>> -> memref<1x128x128xf32, #tpu.memory_space<vmem>>
      %dma_wait3A_529 = tpu.memref_squeeze %dma_wait3A_528 : memref<1x128x128xf32, #tpu.memory_space<vmem>> -> memref<128x128xf32, #tpu.memory_space<vmem>>
      %dma_wait3A_530 = arith.constant 0 : i32
      %dma_wait3A_531 = tpu.memref_slice %arg6[%add3A_523, %dma_wait3A_530] : memref<55x128xi32, #tpu.memory_space<vmem>> -> memref<1x128xi32, #tpu.memory_space<vmem>>
      %dma_wait3A_532 = tpu.memref_squeeze %dma_wait3A_531 : memref<1x128xi32, #tpu.memory_space<vmem>> -> memref<128xi32, #tpu.memory_space<vmem>>
      %dma_wait3A_533 = arith.constant 0 : i32
      %dma_wait3A_534 = arith.constant 0 : i32
      %dma_wait3A_535 = tpu.memref_slice %arg8[%dma_wait3A_533, %dma_wait3A_534] : memref<512x128xf32, #tpu.memory_space<vmem_shared>> -> memref<512x128xf32, #tpu.memory_space<vmem_shared>>
      %dma_wait3A_536 = tpu.memref_slice %arg10[%dma_wait3A_525] : memref<6x!tpu.dma_semaphore, #tpu.memory_space<semaphore_mem>> -> memref<1x!tpu.dma_semaphore, #tpu.memory_space<semaphore_mem>>
      %dma_wait3A_537 = tpu.memref_squeeze %dma_wait3A_536 : memref<1x!tpu.dma_semaphore, #tpu.memory_space<semaphore_mem>> -> memref<!tpu.dma_semaphore, #tpu.memory_space<semaphore_mem>>
      tpu.wait_indirect_dma semaphore(%dma_wait3A_537 : memref<!tpu.dma_semaphore, #tpu.memory_space<semaphore_mem>>) src(%dma_wait3A_529 : memref<128x128xf32, #tpu.memory_space<vmem>>) dst(%dma_wait3A_535 : memref<512x128xf32, #tpu.memory_space<vmem_shared>>)
      %add3A_538 = arith.constant 6 : i32
      %add3A_539 = arith.addi %add3A_523, %add3A_538 : i32
      %lt3A_540 = arith.constant 55 : i32
      %lt3A_541 = arith.cmpi slt, %add3A_539, %lt3A_540 : i32
      %convert_element_type3A_542 = arith.extui %lt3A_541 : i1 to i32
      %cond3A_543 = arith.constant 0 : i32
      %cond3A_544 = arith.cmpi ne, %convert_element_type3A_542, %cond3A_543 : i32
      scf.if %cond3A_544 {
        %add3A_570 = arith.constant 6 : i32
        %add3A_571 = arith.addi %add3A_523, %add3A_570 : i32
        %mul3A_572 = arith.constant 128 : i32
        %mul3A_573 = arith.muli %add3A_571, %mul3A_572 : i32
        %add3A_574 = arith.addi %add3A_4, %mul3A_573 : i32
        %dma_start3A_575 = arith.constant 4 : i32
        %dma_start3A_576 = arith.constant 4 : i32
        %dma_start3A_577 = arith.constant 0 : i32
        %dma_start3A_578 = arith.constant 0 : i32
        %dma_start3A_579 = tpu.memref_slice %arg5[%dma_start3A_575, %dma_start3A_577, %dma_start3A_578] : memref<6x128x128xf32, #tpu.memory_space<vmem>> -> memref<1x128x128xf32, #tpu.memory_space<vmem>>
        %dma_start3A_580 = tpu.memref_squeeze %dma_start3A_579 : memref<1x128x128xf32, #tpu.memory_space<vmem>> -> memref<128x128xf32, #tpu.memory_space<vmem>>
        %dma_start3A_581 = arith.constant 0 : i32
        %dma_start3A_582 = tpu.memref_slice %arg2[%add3A_574, %dma_start3A_581] : memref<320000x128xf32, #tpu.memory_space<hbm>> -> memref<128x128xf32, #tpu.memory_space<hbm>>
        %dma_start3A_583 = tpu.memref_slice %arg9[%dma_start3A_576] : memref<7x!tpu.dma_semaphore, #tpu.memory_space<semaphore_mem>> -> memref<1x!tpu.dma_semaphore, #tpu.memory_space<semaphore_mem>>
        %dma_start3A_584 = tpu.memref_squeeze %dma_start3A_583 : memref<1x!tpu.dma_semaphore, #tpu.memory_space<semaphore_mem>> -> memref<!tpu.dma_semaphore, #tpu.memory_space<semaphore_mem>>
        %dma_start3A_585 = arith.constant 0 : i32
        %dma_start3A_586 = arith.constant 0 : i32
        %dma_start3A_587 = tpu.memref_slice %arg5[%dma_start3A_575, %dma_start3A_585, %dma_start3A_586] : memref<6x128x128xf32, #tpu.memory_space<vmem>> -> memref<1x128x128xf32, #tpu.memory_space<vmem>>
        %dma_start3A_588 = tpu.memref_squeeze %dma_start3A_587 : memref<1x128x128xf32, #tpu.memory_space<vmem>> -> memref<128x128xf32, #tpu.memory_space<vmem>>
        %dma_start3A_589 = arith.constant 0 : i32
        %dma_start3A_590 = tpu.memref_slice %arg2[%add3A_574, %dma_start3A_589] : memref<320000x128xf32, #tpu.memory_space<hbm>> -> memref<128x128xf32, #tpu.memory_space<hbm>>
        tpu.enqueue_dma source(%dma_start3A_590 : memref<128x128xf32, #tpu.memory_space<hbm>>) target(%dma_start3A_588 : memref<128x128xf32, #tpu.memory_space<vmem>>) target_semaphore(%dma_start3A_584 : memref<!tpu.dma_semaphore, #tpu.memory_space<semaphore_mem>>)
      } else {
      }
      %mul3A_545 = arith.constant 6 : i32
      %mul3A_546 = arith.muli %mul3A_545, %scan3A_200 : i32
      %add3A_547 = arith.constant 5 : i32
      %add3A_548 = arith.addi %mul3A_546, %add3A_547 : i32
      %dma_wait3A_549 = arith.constant 5 : i32
      %dma_wait3A_550 = arith.constant 5 : i32
      %dma_wait3A_551 = arith.constant 0 : i32
      %dma_wait3A_552 = arith.constant 0 : i32
      %dma_wait3A_553 = tpu.memref_slice %arg5[%dma_wait3A_549, %dma_wait3A_551, %dma_wait3A_552] : memref<6x128x128xf32, #tpu.memory_space<vmem>> -> memref<1x128x128xf32, #tpu.memory_space<vmem>>
      %dma_wait3A_554 = tpu.memref_squeeze %dma_wait3A_553 : memref<1x128x128xf32, #tpu.memory_space<vmem>> -> memref<128x128xf32, #tpu.memory_space<vmem>>
      %dma_wait3A_555 = arith.constant 0 : i32
      %dma_wait3A_556 = tpu.memref_slice %arg6[%add3A_548, %dma_wait3A_555] : memref<55x128xi32, #tpu.memory_space<vmem>> -> memref<1x128xi32, #tpu.memory_space<vmem>>
      %dma_wait3A_557 = tpu.memref_squeeze %dma_wait3A_556 : memref<1x128xi32, #tpu.memory_space<vmem>> -> memref<128xi32, #tpu.memory_space<vmem>>
      %dma_wait3A_558 = arith.constant 0 : i32
      %dma_wait3A_559 = arith.constant 0 : i32
      %dma_wait3A_560 = tpu.memref_slice %arg8[%dma_wait3A_558, %dma_wait3A_559] : memref<512x128xf32, #tpu.memory_space<vmem_shared>> -> memref<512x128xf32, #tpu.memory_space<vmem_shared>>
      %dma_wait3A_561 = tpu.memref_slice %arg10[%dma_wait3A_550] : memref<6x!tpu.dma_semaphore, #tpu.memory_space<semaphore_mem>> -> memref<1x!tpu.dma_semaphore, #tpu.memory_space<semaphore_mem>>
      %dma_wait3A_562 = tpu.memref_squeeze %dma_wait3A_561 : memref<1x!tpu.dma_semaphore, #tpu.memory_space<semaphore_mem>> -> memref<!tpu.dma_semaphore, #tpu.memory_space<semaphore_mem>>
      tpu.wait_indirect_dma semaphore(%dma_wait3A_562 : memref<!tpu.dma_semaphore, #tpu.memory_space<semaphore_mem>>) src(%dma_wait3A_554 : memref<128x128xf32, #tpu.memory_space<vmem>>) dst(%dma_wait3A_560 : memref<512x128xf32, #tpu.memory_space<vmem_shared>>)
      %add3A_563 = arith.constant 6 : i32
      %add3A_564 = arith.addi %add3A_548, %add3A_563 : i32
      %lt3A_565 = arith.constant 55 : i32
      %lt3A_566 = arith.cmpi slt, %add3A_564, %lt3A_565 : i32
      %convert_element_type3A_567 = arith.extui %lt3A_566 : i1 to i32
      %cond3A_568 = arith.constant 0 : i32
      %cond3A_569 = arith.cmpi ne, %convert_element_type3A_567, %cond3A_568 : i32
      scf.if %cond3A_569 {
        %add3A_570 = arith.constant 6 : i32
        %add3A_571 = arith.addi %add3A_548, %add3A_570 : i32
        %mul3A_572 = arith.constant 128 : i32
        %mul3A_573 = arith.muli %add3A_571, %mul3A_572 : i32
        %add3A_574 = arith.addi %add3A_4, %mul3A_573 : i32
        %dma_start3A_575 = arith.constant 5 : i32
        %dma_start3A_576 = arith.constant 5 : i32
        %dma_start3A_577 = arith.constant 0 : i32
        %dma_start3A_578 = arith.constant 0 : i32
        %dma_start3A_579 = tpu.memref_slice %arg5[%dma_start3A_575, %dma_start3A_577, %dma_start3A_578] : memref<6x128x128xf32, #tpu.memory_space<vmem>> -> memref<1x128x128xf32, #tpu.memory_space<vmem>>
        %dma_start3A_580 = tpu.memref_squeeze %dma_start3A_579 : memref<1x128x128xf32, #tpu.memory_space<vmem>> -> memref<128x128xf32, #tpu.memory_space<vmem>>
        %dma_start3A_581 = arith.constant 0 : i32
        %dma_start3A_582 = tpu.memref_slice %arg2[%add3A_574, %dma_start3A_581] : memref<320000x128xf32, #tpu.memory_space<hbm>> -> memref<128x128xf32, #tpu.memory_space<hbm>>
        %dma_start3A_583 = tpu.memref_slice %arg9[%dma_start3A_576] : memref<7x!tpu.dma_semaphore, #tpu.memory_space<semaphore_mem>> -> memref<1x!tpu.dma_semaphore, #tpu.memory_space<semaphore_mem>>
        %dma_start3A_584 = tpu.memref_squeeze %dma_start3A_583 : memref<1x!tpu.dma_semaphore, #tpu.memory_space<semaphore_mem>> -> memref<!tpu.dma_semaphore, #tpu.memory_space<semaphore_mem>>
        %dma_start3A_585 = arith.constant 0 : i32
        %dma_start3A_586 = arith.constant 0 : i32
        %dma_start3A_587 = tpu.memref_slice %arg5[%dma_start3A_575, %dma_start3A_585, %dma_start3A_586] : memref<6x128x128xf32, #tpu.memory_space<vmem>> -> memref<1x128x128xf32, #tpu.memory_space<vmem>>
        %dma_start3A_588 = tpu.memref_squeeze %dma_start3A_587 : memref<1x128x128xf32, #tpu.memory_space<vmem>> -> memref<128x128xf32, #tpu.memory_space<vmem>>
        %dma_start3A_589 = arith.constant 0 : i32
        %dma_start3A_590 = tpu.memref_slice %arg2[%add3A_574, %dma_start3A_589] : memref<320000x128xf32, #tpu.memory_space<hbm>> -> memref<128x128xf32, #tpu.memory_space<hbm>>
        tpu.enqueue_dma source(%dma_start3A_590 : memref<128x128xf32, #tpu.memory_space<hbm>>) target(%dma_start3A_588 : memref<128x128xf32, #tpu.memory_space<vmem>>) target_semaphore(%dma_start3A_584 : memref<!tpu.dma_semaphore, #tpu.memory_space<semaphore_mem>>)
      } else {
      }
    }
    %scan3A_146 = arith.constant 9 : i32
    %add3A_147 = arith.constant 6912 : i32
    %add3A_148 = arith.addi %add3A_4, %add3A_147 : i32
    %dma_wait3A_149 = arith.constant 0 : i32
    %dma_wait3A_150 = arith.constant 0 : i32
    %dma_wait3A_151 = arith.constant 0 : i32
    %dma_wait3A_152 = arith.constant 0 : i32
    %dma_wait3A_153 = tpu.memref_slice %arg5[%dma_wait3A_149, %dma_wait3A_151, %dma_wait3A_152] : memref<6x128x128xf32, #tpu.memory_space<vmem>> -> memref<1x128x128xf32, #tpu.memory_space<vmem>>
    %dma_wait3A_154 = tpu.memref_squeeze %dma_wait3A_153 : memref<1x128x128xf32, #tpu.memory_space<vmem>> -> memref<128x128xf32, #tpu.memory_space<vmem>>
    %dma_wait3A_155 = arith.constant 0 : i32
    %dma_wait3A_156 = tpu.memref_slice %arg2[%add3A_148, %dma_wait3A_155] : memref<320000x128xf32, #tpu.memory_space<hbm>> -> memref<128x128xf32, #tpu.memory_space<hbm>>
    %dma_wait3A_157 = tpu.memref_slice %arg9[%dma_wait3A_150] : memref<7x!tpu.dma_semaphore, #tpu.memory_space<semaphore_mem>> -> memref<1x!tpu.dma_semaphore, #tpu.memory_space<semaphore_mem>>
    %dma_wait3A_158 = tpu.memref_squeeze %dma_wait3A_157 : memref<1x!tpu.dma_semaphore, #tpu.memory_space<semaphore_mem>> -> memref<!tpu.dma_semaphore, #tpu.memory_space<semaphore_mem>>
    %dma_wait3A_159 = arith.constant 0 : i32
    %dma_wait3A_160 = arith.constant 0 : i32
    %dma_wait3A_161 = tpu.memref_slice %arg5[%dma_wait3A_149, %dma_wait3A_159, %dma_wait3A_160] : memref<6x128x128xf32, #tpu.memory_space<vmem>> -> memref<1x128x128xf32, #tpu.memory_space<vmem>>
    %dma_wait3A_162 = tpu.memref_squeeze %dma_wait3A_161 : memref<1x128x128xf32, #tpu.memory_space<vmem>> -> memref<128x128xf32, #tpu.memory_space<vmem>>
    %dma_wait3A_163 = arith.constant 0 : i32
    %dma_wait3A_164 = tpu.memref_slice %arg2[%add3A_148, %dma_wait3A_163] : memref<320000x128xf32, #tpu.memory_space<hbm>> -> memref<128x128xf32, #tpu.memory_space<hbm>>
    tpu.wait_dma2 semaphore(%dma_wait3A_158 : memref<!tpu.dma_semaphore, #tpu.memory_space<semaphore_mem>>) src(%dma_wait3A_164 : memref<128x128xf32, #tpu.memory_space<hbm>>) dst(%dma_wait3A_162 : memref<128x128xf32, #tpu.memory_space<vmem>>)
    %dma_start3A_165 = arith.constant 0 : i32
    %dma_start3A_166 = arith.constant 54 : i32
    %dma_start3A_167 = arith.constant 0 : i32
    %dma_start3A_168 = arith.constant 0 : i32
    %dma_start3A_169 = arith.constant 0 : i32
    %dma_start3A_170 = tpu.memref_slice %arg5[%dma_start3A_165, %dma_start3A_168, %dma_start3A_169] : memref<6x128x128xf32, #tpu.memory_space<vmem>> -> memref<1x128x128xf32, #tpu.memory_space<vmem>>
    %dma_start3A_171 = tpu.memref_squeeze %dma_start3A_170 : memref<1x128x128xf32, #tpu.memory_space<vmem>> -> memref<128x128xf32, #tpu.memory_space<vmem>>
    %dma_start3A_172 = arith.constant 0 : i32
    %dma_start3A_173 = tpu.memref_slice %arg6[%dma_start3A_166, %dma_start3A_172] : memref<55x128xi32, #tpu.memory_space<vmem>> -> memref<1x128xi32, #tpu.memory_space<vmem>>
    %dma_start3A_174 = tpu.memref_squeeze %dma_start3A_173 : memref<1x128xi32, #tpu.memory_space<vmem>> -> memref<128xi32, #tpu.memory_space<vmem>>
    %dma_start3A_175 = arith.constant 0 : i32
    %dma_start3A_176 = arith.constant 0 : i32
    %dma_start3A_177 = tpu.memref_slice %arg8[%dma_start3A_175, %dma_start3A_176] : memref<512x128xf32, #tpu.memory_space<vmem_shared>> -> memref<512x128xf32, #tpu.memory_space<vmem_shared>>
    %dma_start3A_178 = tpu.memref_slice %arg10[%dma_start3A_167] : memref<6x!tpu.dma_semaphore, #tpu.memory_space<semaphore_mem>> -> memref<1x!tpu.dma_semaphore, #tpu.memory_space<semaphore_mem>>
    %dma_start3A_179 = tpu.memref_squeeze %dma_start3A_178 : memref<1x!tpu.dma_semaphore, #tpu.memory_space<semaphore_mem>> -> memref<!tpu.dma_semaphore, #tpu.memory_space<semaphore_mem>>
    tpu.enqueue_indirect_dma source(%dma_start3A_171 : memref<128x128xf32, #tpu.memory_space<vmem>>) target(%dma_start3A_177 : memref<512x128xf32, #tpu.memory_space<vmem_shared>>) offsets(%dma_start3A_174 : memref<128xi32, #tpu.memory_space<vmem>>) semaphore(%dma_start3A_179 : memref<!tpu.dma_semaphore, #tpu.memory_space<semaphore_mem>>) {add = true}
    %dma_wait3A_180 = arith.constant 0 : i32
    %dma_wait3A_181 = arith.constant 54 : i32
    %dma_wait3A_182 = arith.constant 0 : i32
    %dma_wait3A_183 = arith.constant 0 : i32
    %dma_wait3A_184 = arith.constant 0 : i32
    %dma_wait3A_185 = tpu.memref_slice %arg5[%dma_wait3A_180, %dma_wait3A_183, %dma_wait3A_184] : memref<6x128x128xf32, #tpu.memory_space<vmem>> -> memref<1x128x128xf32, #tpu.memory_space<vmem>>
    %dma_wait3A_186 = tpu.memref_squeeze %dma_wait3A_185 : memref<1x128x128xf32, #tpu.memory_space<vmem>> -> memref<128x128xf32, #tpu.memory_space<vmem>>
    %dma_wait3A_187 = arith.constant 0 : i32
    %dma_wait3A_188 = tpu.memref_slice %arg6[%dma_wait3A_181, %dma_wait3A_187] : memref<55x128xi32, #tpu.memory_space<vmem>> -> memref<1x128xi32, #tpu.memory_space<vmem>>
    %dma_wait3A_189 = tpu.memref_squeeze %dma_wait3A_188 : memref<1x128xi32, #tpu.memory_space<vmem>> -> memref<128xi32, #tpu.memory_space<vmem>>
    %dma_wait3A_190 = arith.constant 0 : i32
    %dma_wait3A_191 = arith.constant 0 : i32
    %dma_wait3A_192 = tpu.memref_slice %arg8[%dma_wait3A_190, %dma_wait3A_191] : memref<512x128xf32, #tpu.memory_space<vmem_shared>> -> memref<512x128xf32, #tpu.memory_space<vmem_shared>>
    %dma_wait3A_193 = tpu.memref_slice %arg10[%dma_wait3A_182] : memref<6x!tpu.dma_semaphore, #tpu.memory_space<semaphore_mem>> -> memref<1x!tpu.dma_semaphore, #tpu.memory_space<semaphore_mem>>
    %dma_wait3A_194 = tpu.memref_squeeze %dma_wait3A_193 : memref<1x!tpu.dma_semaphore, #tpu.memory_space<semaphore_mem>> -> memref<!tpu.dma_semaphore, #tpu.memory_space<semaphore_mem>>
    tpu.wait_indirect_dma semaphore(%dma_wait3A_194 : memref<!tpu.dma_semaphore, #tpu.memory_space<semaphore_mem>>) src(%dma_wait3A_186 : memref<128x128xf32, #tpu.memory_space<vmem>>) dst(%dma_wait3A_192 : memref<512x128xf32, #tpu.memory_space<vmem_shared>>)
    %barrier3A_195 = arith.constant 0 : index
    tpu.barrier barrier_id(%barrier3A_195)
    %mul3A_196 = arith.constant 32 : i32
    %mul3A_197 = arith.muli %arg1, %mul3A_196 : i32
    %mul3A_198 = arith.constant 32 : i32
    %mul3A_199 = arith.muli %arg1, %mul3A_198 : i32
    "tpu.region"() ({
      %run_scoped3A = tpu.sem_alloc : memref<!tpu.dma_semaphore, #tpu.memory_space<semaphore_mem>>
      %dma_start3A_200 = arith.constant 0 : i32
      %dma_start3A_201 = arith.constant 0 : i32
      %dma_start3A_202 = tpu.memref_slice %arg4[%arg0, %dma_start3A_200, %dma_start3A_201] : memref<2x512x128xf32, #tpu.memory_space<hbm>> -> memref<1x512x128xf32, #tpu.memory_space<hbm>>
      %dma_start3A_203 = tpu.memref_squeeze %dma_start3A_202 : memref<1x512x128xf32, #tpu.memory_space<hbm>> -> memref<512x128xf32, #tpu.memory_space<hbm>>
      %dma_start3A_204 = arith.constant 0 : i32
      %dma_start3A_205 = tpu.memref_slice %dma_start3A_203[%mul3A_199, %dma_start3A_204] : memref<512x128xf32, #tpu.memory_space<hbm>> -> memref<32x128xf32, #tpu.memory_space<hbm>>
      %dma_start3A_206 = arith.constant 0 : i32
      %dma_start3A_207 = tpu.memref_slice %arg8[%mul3A_197, %dma_start3A_206] : memref<512x128xf32, #tpu.memory_space<vmem_shared>> -> memref<32x128xf32, #tpu.memory_space<vmem_shared>>
      tpu.enqueue_dma source(%dma_start3A_207 : memref<32x128xf32, #tpu.memory_space<vmem_shared>>) target(%dma_start3A_205 : memref<32x128xf32, #tpu.memory_space<hbm>>) target_semaphore(%run_scoped3A : memref<!tpu.dma_semaphore, #tpu.memory_space<semaphore_mem>>)
      %dma_wait3A_208 = arith.constant 0 : i32
      %dma_wait3A_209 = arith.constant 0 : i32
      %dma_wait3A_210 = tpu.memref_slice %arg4[%arg0, %dma_wait3A_208, %dma_wait3A_209] : memref<2x512x128xf32, #tpu.memory_space<hbm>> -> memref<1x512x128xf32, #tpu.memory_space<hbm>>
      %dma_wait3A_211 = tpu.memref_squeeze %dma_wait3A_210 : memref<1x512x128xf32, #tpu.memory_space<hbm>> -> memref<512x128xf32, #tpu.memory_space<hbm>>
      %dma_wait3A_212 = arith.constant 0 : i32
      %dma_wait3A_213 = tpu.memref_slice %dma_wait3A_211[%mul3A_199, %dma_wait3A_212] : memref<512x128xf32, #tpu.memory_space<hbm>> -> memref<32x128xf32, #tpu.memory_space<hbm>>
      %dma_wait3A_214 = arith.constant 0 : i32
      %dma_wait3A_215 = tpu.memref_slice %arg8[%mul3A_197, %dma_wait3A_214] : memref<512x128xf32, #tpu.memory_space<vmem_shared>> -> memref<32x128xf32, #tpu.memory_space<vmem_shared>>
      tpu.wait_dma2 semaphore(%run_scoped3A : memref<!tpu.dma_semaphore, #tpu.memory_space<semaphore_mem>>) src(%dma_wait3A_215 : memref<32x128xf32, #tpu.memory_space<vmem_shared>>) dst(%dma_wait3A_213 : memref<32x128xf32, #tpu.memory_space<hbm>>)
      tpu.yield
    }) : () -> ()
    return
  }
}

module attributes {stable_mosaic.version = 14 : i64} {
  func.func @_tc_body(%arg0: i32, %arg1: memref<1x1x1280xi32, #tpu.memory_space<vmem>>, %arg2: memref<1280x128xf32, #tpu.memory_space<vmem>>, %arg3: memref<512x128xf32, #tpu.memory_space<vmem>>) attributes {dimension_semantics = [#tpu.dimension_semantics<arbitrary>], iteration_bounds = array<i64: 74>, scalar_prefetch = 0 : i64, scratch_operands = 0 : i64, tpu.core_type = #tpu.core_type<tc>, window_params = [{transform_indices = @transform_0, window_bounds = array<i64: 1, 1, 1280>}, {transform_indices = @transform_1, window_bounds = array<i64: 1280, 128>}, {pipeline_mode = #tpu.pipeline_mode<synchronous>, transform_indices = @transform_2, window_bounds = array<i64: 512, 128>}]} {
    %get3A = arith.constant 0 : index
    %get3A_0 = arith.constant 0 : index
    %get3A_1 = arith.constant 0 : index
    %get3A_2 = vector.load %arg1[%get3A, %get3A_0, %get3A_1] : memref<1x1x1280xi32, #tpu.memory_space<vmem>>, vector<1x1x1280xi32>
    %get3A_3 = vector.shape_cast %get3A_2 : vector<1x1x1280xi32> to vector<1280xi32>
    %iota3A = tpu.iota {dimensions = array<i32: 0>} : vector<512x1280xi32>
    %broadcast_in_dim3A = vector.shape_cast %get3A_3 : vector<1280xi32> to vector<1x1280xi32>
    %eq3A = vector.broadcast %broadcast_in_dim3A : vector<1x1280xi32> to vector<512x1280xi32>
    %eq3A_4 = arith.cmpi eq, %iota3A, %eq3A : vector<512x1280xi32>
    %convert_element_type3A = arith.extui %eq3A_4 : vector<512x1280xi1> to vector<512x1280xi32>
    %convert_element_type3A_5 = arith.sitofp %convert_element_type3A : vector<512x1280xi32> to vector<512x1280xf32>
    %get3A_6 = arith.constant 0 : index
    %get3A_7 = arith.constant 0 : index
    %get3A_8 = vector.load %arg2[%get3A_6, %get3A_7] : memref<1280x128xf32, #tpu.memory_space<vmem>>, vector<1280x128xf32>
    %dot_general3A = arith.constant dense<0.000000e+00> : vector<512x128xf32>
    %dot_general3A_9 = tpu.matmul %convert_element_type3A_5, %get3A_8, %dot_general3A {dimension_numbers = #tpu.dot_dimension_numbers<[1], [0], [0], [1], [0, 0, 1, 1], [], []>, transpose_lhs_hint = false} : vector<512x1280xf32>, vector<1280x128xf32>, vector<512x128xf32> -> vector<512x128xf32>
    %eq3A_10 = arith.constant 0 : i32
    %eq3A_11 = arith.cmpi eq, %arg0, %eq3A_10 : i32
    %convert_element_type3A_12 = arith.extui %eq3A_11 : i1 to i32
    %cond3A = arith.constant 0 : i32
    %cond3A_13 = arith.cmpi ne, %convert_element_type3A_12, %cond3A : i32
    scf.if %cond3A_13 {
      %swap3A = arith.constant 0 : index
      %swap3A_18 = arith.constant 0 : index
      %swap3A_19 = vector.load %arg3[%swap3A, %swap3A_18] : memref<512x128xf32, #tpu.memory_space<vmem>>, vector<512x128xf32>
      tpu.vector_store %arg3[%swap3A, %swap3A_18], %dot_general3A_9 {strides = array<i32>} : memref<512x128xf32, #tpu.memory_space<vmem>>, vector<512x128xf32>,
    } else {
    }
    %gt3A = arith.constant 0 : i32
    %gt3A_14 = arith.cmpi sgt, %arg0, %gt3A : i32
    %convert_element_type3A_15 = arith.extui %gt3A_14 : i1 to i32
    %cond3A_16 = arith.constant 0 : i32
    %cond3A_17 = arith.cmpi ne, %convert_element_type3A_15, %cond3A_16 : i32
    scf.if %cond3A_17 {
      %get3A_18 = arith.constant 0 : index
      %get3A_19 = arith.constant 0 : index
      %get3A_20 = vector.load %arg3[%get3A_18, %get3A_19] : memref<512x128xf32, #tpu.memory_space<vmem>>, vector<512x128xf32>
      %add3A = arith.addf %get3A_20, %dot_general3A_9 : vector<512x128xf32>
      %swap3A = arith.constant 0 : index
      %swap3A_21 = arith.constant 0 : index
      %swap3A_22 = vector.load %arg3[%swap3A, %swap3A_21] : memref<512x128xf32, #tpu.memory_space<vmem>>, vector<512x128xf32>
      tpu.vector_store %arg3[%swap3A, %swap3A_21], %add3A {strides = array<i32>} : memref<512x128xf32, #tpu.memory_space<vmem>>, vector<512x128xf32>,
    } else {
    }
    return
  }
  func.func @transform_0(%arg0: i32) -> (i32, i32, i32) {
    %c0_i32 = arith.constant 0 : i32
    %c0_i32_0 = arith.constant 0 : i32
    %c0_i32_1 = arith.constant 0 : i32
    return %arg0, %c0_i32, %c0_i32_0 : i32, i32, i32
  }
  func.func @transform_1(%arg0: i32) -> (i32, i32) {
    %c0_i32 = arith.constant 0 : i32
    %c0_i32_0 = arith.constant 0 : i32
    return %arg0, %c0_i32 : i32, i32
  }
  func.func @transform_2(%arg0: i32) -> (i32, i32) {
    %c0_i32 = arith.constant 0 : i32
    %c0_i32_0 = arith.constant 0 : i32
    %c0_i32_1 = arith.constant 0 : i32
    return %c0_i32, %c0_i32_0 : i32, i32
  }
}

module attributes {stable_mosaic.version = 14 : i64} {
  func.func @_combine_body(%arg0: memref<512x128xf32, #tpu.memory_space<vmem>>, %arg1: memref<2x512x128xf32, #tpu.memory_space<vmem>>, %arg2: memref<512x128xf32, #tpu.memory_space<vmem>>) attributes {dimension_semantics = [], scalar_prefetch = 0 : i64, scratch_operands = 0 : i64, tpu.core_type = #tpu.core_type<tc>} {
    %get3A = arith.constant 0 : index
    %get3A_0 = arith.constant 0 : index
    %get3A_1 = vector.load %arg0[%get3A, %get3A_0] : memref<512x128xf32, #tpu.memory_space<vmem>>, vector<512x128xf32>
    %get3A_2 = arith.constant 0 : index
    %get3A_3 = arith.constant 0 : index
    %get3A_4 = arith.constant 0 : index
    %get3A_5 = vector.load %arg1[%get3A_2, %get3A_3, %get3A_4] : memref<2x512x128xf32, #tpu.memory_space<vmem>>, vector<1x512x128xf32>
    %get3A_6 = vector.shape_cast %get3A_5 : vector<1x512x128xf32> to vector<512x128xf32>
    %add3A = arith.addf %get3A_1, %get3A_6 : vector<512x128xf32>
    %get3A_7 = arith.constant 1 : index
    %get3A_8 = arith.constant 0 : index
    %get3A_9 = arith.constant 0 : index
    %get3A_10 = vector.load %arg1[%get3A_7, %get3A_8, %get3A_9] : memref<2x512x128xf32, #tpu.memory_space<vmem>>, vector<1x512x128xf32>
    %get3A_11 = vector.shape_cast %get3A_10 : vector<1x512x128xf32> to vector<512x128xf32>
    %add3A_12 = arith.addf %add3A, %get3A_11 : vector<512x128xf32>
    %swap3A = arith.constant 0 : index
    %swap3A_13 = arith.constant 0 : index
    %swap3A_14 = vector.load %arg2[%swap3A, %swap3A_13] : memref<512x128xf32, #tpu.memory_space<vmem>>, vector<512x128xf32>
    tpu.vector_store %arg2[%swap3A, %swap3A_13], %add3A_12 {strides = array<i32>} : memref<512x128xf32, #tpu.memory_space<vmem>>, vector<512x128xf32>,
    return
  }
}

</mosaic_0001>

<sc_bundles>
// kernel: kernel.5.cloned.1.call-start
scs
__scs_entry_jumppad:
0x0: {  	(pc) =	sbr.rel $0x88, $3  }
0x1: {  	(tag) =	ssettag $0x0;
	lr =	simm.s32 $0x1  }
0x2: {  	[smem:$0x3F9F] =	sst lr;
	_ =	strace $0xD0000000  }
0x3: {  	_ = 	snop  }
0x4: {  	_ = 	snop  }
0x5: {  	_ = 	snop  }
0x6: {  	_ = 	snop  }
0x7: {  	_ = 	snop  }
__scs_overlays_trampoline_lowered:
0x8: {  	[smem:$0x3FAE] =	sst s0  }
0x9: {  	[smem:$0x3FAF] =	sst s1  }
0xa: {  	[smem:$0x3FB0] =	sst s2  }
0xb: {  	[smem:$0x3FB1] =	sst s3  }
0xc: {  	[smem:$0x3FB2] =	sst s4  }
0xd: {  	[smem:$0x3FB3] =	sst s5  }
0xe: {  	[smem:$0x3FB4] =	sst s6  }
0xf: {  	[smem:$0x3FB5] =	sst s7  }
0x10: {  	[smem:$0x3FB6] =	sst s8  }
0x11: {  	[smem:$0x3FB7] =	sst s9;
	s0 =	simm.s32 @!p0 $0x0  }
0x12: {  	s1 =	sld [smem:$0x3F9D];
	s0 =	simm.s32 @p0 $0x1  }
0x13: {  	[smem:$0x3FB8] =	sst s0;
	s0 =	simm.s32 @!p1 $0x0  }
0x14: {  	s2 =	sld [smem:$0x3F9C];
	s0 =	simm.s32 @p1 $0x1  }
0x15: {  	[smem:$0x3FB9] =	sst s0;
	s0 =	simm.s32 @!p2 $0x0  }
0x16: {  	s3 =	sld [smem:$0x3FDB];
	s0 =	simm.s32 @p2 $0x1  }
0x17: {  	s4 =	simm.s32 $0x1BF5;
	[smem:$0x3FBB] =	sst s0  }
0x18: {  	s0 =	sld [smem:$0x3F9E];
	_ =	swait.ge [sflag:s4], $0x0  }
0x19: {  	s7 =	sld [smem:$0x3F9F]  }
0x1a: {  	s8 =	sadd.s32 $0xFFFFE003, lr  }
0x1b: {  	s9 =	sadd.s32 $0xFFFFFEF7, lr;
	s5 =	simm.s32 $0xFFFFFFFF;
	p2 =	slt.u32 s8, $0xFFFFF086  }
0x1c: {  	p1 =	slt.u32 s9, $0xF7A;
	s5 =	simm.s32 @!p2 $0x0  }
0x1d: {  	s5 =	simm.s32 @p1 $0x1;
	p0 =	seq.s32 s7, s2  }
0x1e: {  	s7 =	smul.u32 @!p0 $0xF7A, s2;
	p2 =	seq.s32 @!p0 s5, $0x0  }
0x1f: {  	s9 =	smul.u32 $0xF7A, s1;
	s8 =	simm.s32 @!p0 $0x1BF5;
	p2 =	por !p2, p0  }
0x20: {  	[sflag:s8] =	ssyncset.s32 @!p0 $0xFFFFF086;
	s6 =	sadd.s32 @!p0 s3, s7;
	s7 =	simm.s32 @!p0 $0x108  }
0x21: {  	s3 =	sadd.s32 s3, s9;
	s6 =	sadd.s32 @!p0 $0x88, s6;
	s7 =	simm.s32 @p2 $0x1082  }
0x22: {  	[simem:s7], [sflag:s8] =	dma.local @!p0 [hbm:s6], $0xF7A  }
0x23: {  	s9 =	sor.u32 $0xD0000000, s2;
	s6 =	simm.s32 $0x108;
	_ =	swait.ge @!p0 [sflag:s8], $0x0  }
0x24: {  	s3 =	sadd.s32 $0x88, s3;
	s6 =	simm.s32 @!p1 $0x1082;
	[sflag:s4] =	ssyncset.s32 $0xFFFFF086  }
0x25: {  	[simem:s6], [sflag:s4] =	dma.local [hbm:s3], $0xF7A  }
0x26: {  	[smem:$0x3F9F] =	sst s1;
	(tag) =	ssettag s2;
	_ =	strace s9  }
0x27: {  	s1 =	sld [smem:$0x3FAF]  }
0x28: {  	s2 =	sld [smem:$0x3FB0]  }
0x29: {  	s4 =	sld [smem:$0x3FB2]  }
0x2a: {  	p0 =	seq.s32 s5, $0x0;
	s5 =	sld [smem:$0x3FB3]  }
0x2b: {  	s6 =	sld [smem:$0x3FB4]  }
0x2c: {  	s7 =	sld [smem:$0x3FB5]  }
0x2d: {  	s3 =	simm.s32 $0x108;
	s8 =	sld [smem:$0x3FB6]  }
0x2e: {  	s3 =	simm.s32 @!p0 $0x1082;
	s9 =	sld [smem:$0x3FB7]  }
0x2f: {  	lr =	sadd.s32 s0, s3;
	s0 =	sld [smem:$0x3FAE]  }
0x30: {  	s3 =	sld [smem:$0x3FB1]  }
0x31: {  	[smem:$0x3FBA] =	sst s10  }
0x32: {  	s10 =	sld [smem:$0x3FB8];
	_ =	sdelay $0x3  }
0x33: {  	p0 =	seq.s32 s10, $0x1;
	s10 =	sld [smem:$0x3FBA];
	_ =	sdelay $0x3  }
0x34: {  	[smem:$0x3FBA] =	sst s10  }
0x35: {  	s10 =	sld [smem:$0x3FB9];
	_ =	sdelay $0x3  }
0x36: {  	p1 =	seq.s32 s10, $0x1;
	s10 =	sld [smem:$0x3FBA];
	_ =	sdelay $0x3  }
0x37: {  	[smem:$0x3FBA] =	sst s10  }
0x38: {  	s10 =	sld [smem:$0x3FBB]  }
0x39: {  	_ = 	snop;
	(pc) =	sbr.ind lr, $3  }
0x3a: {  	_ = 	snop  }
0x3b: {  	_ = 	snop  }
0x3c: {  	p2 =	seq.s32 s10, $0x1;
	s10 =	sld [smem:$0x3FBA]  }
0x3d: {  	_ =	shalt  }
0x3e: {  	_ =	shalt  }
0x3f: {  	_ =	shalt  }
0x40: {  	_ =	shalt  }
0x41: {  	_ =	shalt  }
0x42: {  	_ =	shalt  }
0x43: {  	_ =	shalt  }
0x44: {  	_ =	shalt  }
0x45: {  	_ =	shalt  }
0x46: {  	_ =	shalt  }
0x47: {  	_ =	shalt  }
0x48: {  	_ =	shalt  }
0x49: {  	_ =	shalt  }
0x4a: {  	_ =	shalt  }
0x4b: {  	_ =	shalt  }
0x4c: {  	_ =	shalt  }
0x4d: {  	_ =	shalt  }
0x4e: {  	_ =	shalt  }
0x4f: {  	_ =	shalt  }
0x50: {  	_ =	shalt  }
0x51: {  	_ =	shalt  }
0x52: {  	_ =	shalt  }
0x53: {  	_ =	shalt  }
0x54: {  	_ =	shalt  }
0x55: {  	_ =	shalt  }
0x56: {  	_ =	shalt  }
0x57: {  	_ =	shalt  }
0x58: {  	_ =	shalt  }
0x59: {  	_ =	shalt  }
0x5a: {  	_ =	shalt  }
0x5b: {  	_ =	shalt  }
0x5c: {  	_ =	shalt  }
0x5d: {  	_ =	shalt  }
0x5e: {  	_ =	shalt  }
0x5f: {  	_ =	shalt  }
0x60: {  	_ =	shalt  }
0x61: {  	_ =	shalt  }
0x62: {  	_ =	shalt  }
0x63: {  	_ =	shalt  }
0x64: {  	_ =	shalt  }
0x65: {  	_ =	shalt  }
0x66: {  	_ =	shalt  }
0x67: {  	_ =	shalt  }
0x68: {  	_ =	shalt  }
0x69: {  	_ =	shalt  }
0x6a: {  	_ =	shalt  }
0x6b: {  	_ =	shalt  }
0x6c: {  	_ =	shalt  }
0x6d: {  	_ =	shalt  }
0x6e: {  	_ =	shalt  }
0x6f: {  	_ =	shalt  }
0x70: {  	_ =	shalt  }
0x71: {  	_ =	shalt  }
0x72: {  	_ =	shalt  }
0x73: {  	_ =	shalt  }
0x74: {  	_ =	shalt  }
0x75: {  	_ =	shalt  }
0x76: {  	_ =	shalt  }
0x77: {  	_ =	shalt  }
0x78: {  	_ =	shalt  }
0x79: {  	_ =	shalt  }
0x7a: {  	_ =	shalt  }
0x7b: {  	_ =	shalt  }
0x7c: {  	_ =	shalt  }
0x7d: {  	_ =	shalt  }
0x7e: {  	_ =	shalt  }
0x7f: {  	_ =	shalt  }
0x80: {  	_ =	shalt  }
0x81: {  	_ =	shalt  }
0x82: {  	_ =	shalt  }
0x83: {  	_ =	shalt  }
0x84: {  	_ =	shalt  }
0x85: {  	_ =	shalt  }
0x86: {  	_ =	shalt  }
0x87: {  	_ =	shalt  }
.Lfunc_end0:
.L_simem_size_0:
called_computation_lowered:
.L_overlay_start_0:
0x88: {  	s2 =	sld [smem:$0x3FD9]  }
0x89: {  	s3 =	sld [smem:$0x3FFE];
	_ =	sdelay $0x1  }
0x8a: {  	s1 =	srdreg.scid  }
0x8b: {  	s0 =	sand.u32 $0x1, s1  }
0x8c: {  	s17 =	sshll.u32 s0, $0xA;
	s2 =	sadd.s32 s3, s2  }
0x8d: {  	s2 =	sadd.s32 s2, s17  }
0x8e: {  	[smem:$0x3FC6] =	sst s2  }
0x8f: {  	_ = 	snop  }
0x90: {  	s2 =	sld [smem:$0x3FC9];
	(tm) =	ssettm $0x1  }
0x91: {  	s18 =	sld [smem:$0x3FFB];
	_ =	sdelay $0x3  }
0x92: {  	_ =	strace s18  }
0x93: {  	s3 =	sld [smem:$0x3FFC];
	_ =	sdelay $0x3  }
0x94: {  	_ =	strace s3  }
0x95: {  	s3 =	sld [smem:$0x3FFD];
	_ =	sdelay $0x3  }
0x96: {  	_ =	strace s3  }
0x97: {  	_ =	strace $0x8FFFFFFF  }
0x98: {  	s19 =	sld [smem:$0x3FDB];
	_ =	sdelay $0x1  }
0x99: {  	s4 =	simm.s32 $_scs_section_size  }
0x9a: {  	s5 =	simm.s32 $_size__tile_overlayer_lowered;
	s6 =	simm.s32 $_tile_overlayer_lowered  }
0x9b: {  	s22 =	simm.s32 $0x1BFF;
	s21 =	sshll.u32 s6, $0x1;
	s3 =	sadd.s32 s4, s19  }
0x9c: {  	s7 =	simm.s32 $0x0;
	s20 =	sshll.u32 s5, $0x1;
	s5 =	sadd.s32 s21, s3  }
0x9d: {  	[timem:s7], [sflag:s22] =	dma.local [hbm:s5], s20  }
0x9e: {  	_ =	swait.ge [sflag:s22], s20  }
0x9f: {  	s4 =	ssub.s32 $0x0, s20;
	[sflag:s22] =	ssyncset.done $0x0  }
0xa0: {  	[sflag:s22] =	ssyncadd.s32 s4;
	_ =	sdelay $0x1  }
0xa1: {  	s23 =	simm.s32 $0x1B8B  }
0xa2: {  	_ =	swait.ge [sflag:s23], $0x1  }
0xa3: {  	[sflag:s23] =	ssyncset.done $0x0  }
0xa4: {  	s25 =	simm.s32 $0x1B8E;
	s24 =	sld [smem:$0x3FFE];
	[sflag:s23] =	ssyncadd.s32 $0xFFFFFFFF  }
0xa5: {  	s26 =	simm.s32 $execute0_lowered;
	[smem:$0x3FD2] =	sst s25  }
0xa6: {  	s5 =	sshll.u32 s26, $0x1;
	_ =	strace $0x80000046;
	[dreg:$0x1] =	wrdreg $0xFFFFFFFF  }
0xa7: {  	s28 =	simm.s32 $_size_execute0_lowered;
	s3 =	sadd.s32 s3, s5;
	[dreg:$0x0] =	wrdreg $0x0  }
0xa8: {  	s5 =	sshll.u32 s28, $0x1;
	[dreg:$0x2] =	wrdreg s3  }
0xa9: {  	[dreg:$0x3] =	wrdreg s5  }
0xaa: {  	[dreg:$0x4] =	wrdreg $0xC0  }
0xab: {  	_ =	task [dreg:s7], $0x5FFFF  }
0xac: {  	[dreg:$0x1] =	wrdreg $0xFFFFFFFF  }
0xad: {  	[dreg:$0x0] =	wrdreg $0x60  }
0xae: {  	[dreg:$0x2] =	wrdreg s2  }
0xaf: {  	[dreg:$0x3] =	wrdreg s24  }
0xb0: {  	[dreg:$0x4] =	wrdreg $0x1AC000  }
0xb1: {  	[dreg:$0x5] =	wrdreg $0x9  }
0xb2: {  	_ =	task.clear_ibuf [dreg:s7], $0x6FFFF;
	_ =	strace $0x90000046  }
0xb3: {  	s29 =	simm.s32 $0x9;
	_ =	strace $0x80000048  }
0xb4: {  	_ =	swait.ge [sflag:s29], $0x1  }
0xb5: {  	[sflag:s29] =	ssyncadd.s32 $0xFFFFFFFF  }
0xb6: {  	_ =	strace $0x90000048  }
0xb7: {  	_ =	sfence  }
0xb8: {  	s30 =	sld [smem:$0x0];
	_ =	sdelay $0x2  }
0xb9: {  	s31 =	sshll.u32 s1, $0xD;
	s1 =	sshrl.u32 s1, $0x2  }
0xba: {  	s3 =	sand.u32 $0x4000, s31;
	s1 =	sadd.s32 s1, s30  }
0xbb: {  	s0 =	sor.u32 s3, s0;
	s1 =	sshll.u32 s1, $0x11  }
0xbc: {  	s0 =	sor.u32 s1, s0  }
0xbd: {  	s0 =	sadd.s32 $0x8F2B, s0  }
0xbe: {  	[sflag:s0] =	ssyncadd.remote.s32 $0x1  }
0xbf: {  	_ =	sfence.sel $0xFFFF  }
0xc0: {  	[dreg:$0x0] =	wrdreg $0xFFFFFFFF;
	(pc) =	sbr.abs _section_cstart, $3  }
0xc1: {  	[dreg:$0x1] =	wrdreg $0xFFFFFFFF  }
0xc2: {  	_ =	task.clear_ibuf [dreg:s7], $0x2FFFF;
	_ =	strace $0x9FFFFFFF  }
0xc3: {  	(tm) =	ssettm $0x7FFFFFFF  }
tec
execute0_lowered:
.L_overlay_start_1:
0x0: {  	(tag) =	ssettag $0x1  }
0x1: {  	s0 =	rddreg [dreg:$0x0]  }
0x2: {  	s1 =	rddreg [dreg:$0x1];
	s3 =	srdreg.scid  }
0x3: {  	s10 =	stileid.u32;
	s2 =	rddreg [dreg:$0x2];
	s28 =	simm.s32 $0x14000  }
0x4: {  	s30 =	simm.s32 $0x1;
	s31 =	simm.s32 $0x80;
	s4 =	sand.u32 $0x1, s3  }
0x5: {  	s5 =	sshll.u32 s10, $0x1;
	s3 =	simm.s32 $0x0;
	s21 =	sshll.u32 s10, $0xC  }
0x6: {  	s23 =	smul.u32 $0x1B8000, s10;
	s12 =	sshll.u32 s10, $0x9;
	s5 =	sor.u32 s4, s5  }
0x7: {  	s7 =	sshll.u32 s4, $0xD;
	s8 =	ssub.s32 $0x2, s4;
	s4 =	smul.u32 $0xDC000, s4  }
0x8: {  	s10 =	simm.s32 $0xC;
	[smem:$0x7FF] =	sst s3;
	s6 =	smul.u32 $0x380, s5  }
0x9: {  	s15 =	sadd.s32 s21, s2;
	_ =	strace $0x80000047;
	s9 =	smul.u32 $0xDC000, s5  }
0xa: {  	s19 =	sshrl.u32 s8, $0x1;
	s20 =	smul.u32 $0x1B800, s5;
	s4 =	sadd.s32 s4, s23  }
0xb: {  	s6 =	sadd.s32 s6, s1;
	s1 =	sadd.s32 s7, s1;
	s7 =	ssub.s32 s8, s19  }
0xc: {  	s22 =	sshrl.u32 s9, $0x3;
	s8 =	sadd.s32 s0, s20;
	s14 =	sadd.s32 $0xBBC000, s4  }
0xd: {  	s16 =	sadd.s32 $0xBB8000, s4;
	s9 =	sadd.s32 $0xBB4000, s4;
	s23 =	sadd.s32 $0xBAC000, s4  }
0xe: {  	s6 =	sadd.s32 $0x800, s6;
	s24 =	sadd.s32 $0x172000, s8;
	s1 =	sadd.s32 $0x7800, s1  }
0xf: {  	s13 =	smax.u32 s7, $0x1;
	s7 =	sshrl.u32 s14, $0x3;
	s18 =	sshrl.u32 s16, $0x3  }
0x10: {  	s19 =	sshrl.u32 s9, $0x3;
	s16 =	simm.s32 $0xE;
	[dreg:$0x4] =	wrdreg s6  }
0x11: {  	s9 =	simm.s32 $0xB;
	s6 =	sadd.s32 s0, s22;
	[dreg:$0x5] =	wrdreg s24  }
0x12: {  	[dreg:$0xb] =	wrdreg s13;
	s17 =	sadd.s32 s7, s0;
	s20 =	sadd.s32 s18, s0  }
0x13: {  	s21 =	sadd.s32 s19, s0;
	s22 =	sadd.s32 $0xBB0000, s4;
	[dreg:$0xc] =	wrdreg s17  }
0x14: {  	s4 =	sadd.s32 $0xBA8000, s4;
	s19 =	simm.s32 $0x4;
	[dreg:$0xd] =	wrdreg s20  }
0x15: {  	s25 =	sadd.s32 $0x172800, s6;
	s26 =	sadd.s32 $0x173000, s6;
	[dreg:$0xe] =	wrdreg s21  }
0x16: {  	s29 =	sadd.s32 $0x173800, s6;
	s8 =	sadd.s32 $0x174000, s6;
	[dreg:$0x6] =	wrdreg s25  }
0x17: {  	s11 =	sadd.s32 $0x174800, s6;
	s7 =	sshrl.u32 s22, $0x3;
	[dreg:$0x7] =	wrdreg s26  }
0x18: {  	s4 =	sshrl.u32 s4, $0x3;
	s22 =	simm.s32 $0x4000;
	[dreg:$0x8] =	wrdreg s29  }
0x19: {  	s20 =	simm.s32 $0x5;
	s6 =	simm.s32 $0x8;
	[dreg:$0x9] =	wrdreg s8  }
0x1a: {  	[dreg:$0xa] =	wrdreg s11;
	s24 =	sadd.s32 s7, s0;
	s25 =	sshrl.u32 s23, $0x3  }
0x1b: {  	s23 =	simm.s32 $0x8000;
	s29 =	sadd.s32 s12, s1;
	s1 =	simm.s32 $0x2  }
.Ltmp0:
0x1c: {  	s7 =	simm.s32 $0x9;
	s8 =	simm.s32 $0xA;
	(pc) =	sbr.rel .LBB2_1-.Ltmp0, $4  }
0x1d: {  	s11 =	simm.s32 $0xD;
	s12 =	simm.s32 $0x0;
	[dreg:$0xf] =	wrdreg s24  }
0x1e: {  	s26 =	sadd.s32 s25, s0;
	s0 =	sadd.s32 s4, s0;
	[dreg:$0x12] =	wrdreg s29  }
0x1f: {  	s25 =	simm.s32 $0xC000;
	s4 =	simm.s32 $0x6;
	[dreg:$0x10] =	wrdreg s26  }
0x20: {  	v0 =	vimm.f32 $0.0e+00;
	[dreg:$0x11] =	wrdreg s0;
	s26 =	simm.s32 $0x10000;
	s0 =	simm.s32 $0x3  }
.LBB2_6:
0x21: {  	_ =	swait.ge [sflag:s8], $0x4000  }
0x22: {  	[sflag:s8] =	ssyncset.done $0x0  }
0x23: {  	[sflag:s8] =	ssyncadd.s32 $0xFFFFC000  }
0x24: {  	_ =	swait.ge [sflag:s9], $0x4000  }
0x25: {  	[sflag:s9] =	ssyncset.done $0x0  }
0x26: {  	[sflag:s9] =	ssyncadd.s32 $0xFFFFC000  }
0x27: {  	_ =	swait.ge [sflag:s10], $0x4000  }
0x28: {  	[sflag:s10] =	ssyncset.done $0x0  }
0x29: {  	[sflag:s10] =	ssyncadd.s32 $0xFFFFC000  }
0x2a: {  	_ =	swait.ge [sflag:s11], $0x4000  }
0x2b: {  	[sflag:s11] =	ssyncset.done $0x0  }
0x2c: {  	[sflag:s11] =	ssyncadd.s32 $0xFFFFC000  }
0x2d: {  	_ =	swait.ge [sflag:s30], $0x4000  }
0x2e: {  	[sflag:s30] =	ssyncset.done $0x0  }
0x2f: {  	s5 =	simm.s32 $0x19B00;
	[sflag:s30] =	ssyncadd.s32 $0xFFFFC000  }
0x30: {  	[spmem:s2] =	stream.indirect.scatter.add.f32 [tilespmem:s3], [sflag:$0x8], $0x80, s5, s31, $0xb8;
	[tilespmem:$0x1BC00] =	vst v63  }
0x31: {  	_ =	swait.ge [sflag:s6], $0x4000  }
0x32: {  	[sflag:s6] =	ssyncset.done $0x0  }
0x33: {  	s24 =	stileid.u32;
	[sflag:s6] =	ssyncadd.s32 $0xFFFFC000  }
0x34: {  	s13 =	sshrl.u32 s21, $0x3;
	s5 =	sshll.u32 s24, $0x6;
	[bflag:$0x0] =	sbarrier.arrive $0xFFFF  }
0x35: {  	s16 =	simm.s32 $0xE;
	s5 =	sor.u32 $0x1C0E, s5;
	s14 =	rddreg [dreg:$0x12]  }
0x36: {  	[hbm:s14], [sflag:s5] =	dma.local [spmem:s13], $0x200  }
0x37: {  	_ =	swait.ge [sflag:s16], $0x200  }
0x38: {  	s12 =	sadd.s32 $0x1, s12;
	s29 =	rddreg [dreg:$0xb]  }
0x39: {  	p0 =	sne.s32 s12, s29  }
.Ltmp1:
0x3a: {  	_ = 	snop;
	(pc) =	sbr.rel @!p0 .LBB2_7-.Ltmp1, $3  }
0x3b: {  	_ =	sdelay $0x1  }
0x3c: {  	[sflag:s16] =	ssyncset.done $0x0  }
0x3d: {  	s15 =	smov.u32 s21;
	[sflag:s16] =	ssyncadd.s32 $0xFFFFFE00  }
.LBB2_1:
0x3e: {  	s5 =	rddreg [dreg:$0x4];
	s13 =	simm.s32 $0x18000  }
0x3f: {  	[tilespmem:s13], [sflag:$0x7] =	stream.linear.gather [hbm4b:s5+s3], $0x1B80, $0x38;
	[tilespmem:$0x1BC00] =	vst v63  }
0x40: {  	s14 =	simm.s32 $0x200;
	s13 =	simm.s32 $0x0  }
.LBB2_2:
0x41: {  	p0 =	sne.s32 s14, $0x3E00;
	[tilespmem:s13+$0x19C70] =	vst v0  }
0x42: {  	[tilespmem:s13+$0x19C00] =	vst v0  }
0x43: {  	[tilespmem:s13+$0x19C10] =	vst v0  }
.Ltmp2:
0x44: {  	[tilespmem:s13+$0x19C20] =	vst v0;
	(pc) =	sbr.rel @p0 .LBB2_2-.Ltmp2, $4  }
0x45: {  	[tilespmem:s13+$0x19C30] =	vst v0  }
0x46: {  	[tilespmem:s13+$0x19C40] =	vst v0  }
0x47: {  	[tilespmem:s13+$0x19C50] =	vst v0  }
0x48: {  	[tilespmem:s13+$0x19C60] =	vst v0;
	s13 =	sshra.s32 s14, $0x2;
	s14 =	sadd.s32 $0x200, s14  }
0x49: {  	[tilespmem:s13+$0x19C70] =	vst v0  }
0x4a: {  	[tilespmem:s13+$0x19C00] =	vst v0  }
0x4b: {  	[tilespmem:s13+$0x19C10] =	vst v0  }
0x4c: {  	[tilespmem:s13+$0x19C20] =	vst v0  }
0x4d: {  	[tilespmem:s13+$0x19C30] =	vst v0  }
0x4e: {  	[tilespmem:s13+$0x19C40] =	vst v0  }
0x4f: {  	[tilespmem:s13+$0x19C50] =	vst v0  }
0x50: {  	[tilespmem:s13+$0x19C60] =	vst v0;
	s5 =	simm.s32 $0x19C00  }
0x51: {  	[spmem:s15] =	stream.linear.scatter [tilespmem:s5], [sflag:$0xE], $0x1000, $0x38;
	[tilespmem:$0x1BC00] =	vst v63  }
0x52: {  	_ =	swait.ge [sflag:s16], $0x1000  }
0x53: {  	[sflag:s16] =	ssyncset.done $0x0  }
0x54: {  	[sflag:s16] =	ssyncadd.s32 $0xFFFFF000  }
0x55: {  	[bflag:$0x0] =	sbarrier.arrive $0xFFFF  }
0x56: {  	s13 =	simm.s32 $0x0;
	s14 =	rddreg [dreg:$0x5]  }
0x57: {  	[tilespmem:s13], [sflag:$0x1] =	stream.linear.gather [hbm4b:s14+s13], $0x4000, $0x38;
	[tilespmem:$0x1BC00] =	vst v63  }
0x58: {  	s21 =	smov.u32 s15;
	s15 =	rddreg [dreg:$0x6]  }
0x59: {  	[tilespmem:s22], [sflag:$0x2] =	stream.linear.gather [hbm4b:s15+s13], $0x4000, $0x38;
	[tilespmem:$0x1BC00] =	vst v63  }
0x5a: {  	s16 =	rddreg [dreg:$0x7]  }
0x5b: {  	[tilespmem:s23], [sflag:$0x3] =	stream.linear.gather [hbm4b:s16+s13], $0x4000, $0x38;
	[tilespmem:$0x1BC00] =	vst v63  }
0x5c: {  	s17 =	rddreg [dreg:$0x8]  }
0x5d: {  	[tilespmem:s25], [sflag:$0x4] =	stream.linear.gather [hbm4b:s17+s13], $0x4000, $0x38;
	[tilespmem:$0x1BC00] =	vst v63  }
0x5e: {  	s18 =	rddreg [dreg:$0x9]  }
0x5f: {  	[tilespmem:s26], [sflag:$0x5] =	stream.linear.gather [hbm4b:s18+s13], $0x4000, $0x38;
	[tilespmem:$0x1BC00] =	vst v63  }
0x60: {  	s29 =	simm.s32 $0x7;
	s24 =	rddreg [dreg:$0xa]  }
0x61: {  	[tilespmem:s28], [sflag:$0x6] =	stream.linear.gather [hbm4b:s24+s13], $0x4000, $0x38;
	[tilespmem:$0x1BC00] =	vst v63  }
0x62: {  	_ =	swait.ge [sflag:s29], $0x1B80  }
0x63: {  	s18 =	rddreg [dreg:$0x11]  }
0x64: {  	s17 =	rddreg [dreg:$0x10]  }
0x65: {  	s16 =	rddreg [dreg:$0xf]  }
0x66: {  	s15 =	rddreg [dreg:$0xe]  }
0x67: {  	[sflag:s29] =	ssyncset.done $0x0;
	s14 =	rddreg [dreg:$0xd]  }
0x68: {  	s24 =	rddreg [dreg:$0xc];
	[sflag:s29] =	ssyncadd.s32 $0xFFFFE480  }
.LBB2_4:
0x69: {  	_ =	swait.ge [sflag:s30], $0x4000  }
0x6a: {  	s29 =	sshra.s32 s13, $0x2;
	[sflag:s30] =	ssyncset.done $0x0  }
0x6b: {  	s5 =	sadd.s32 $0x18000, s29;
	[sflag:s30] =	ssyncadd.s32 $0xFFFFC000  }
0x6c: {  	[spmem:s2] =	stream.indirect.scatter.add.f32 [tilespmem:s3], [sflag:$0x8], $0x80, s5, s31, $0xb8;
	[tilespmem:$0x1BC00] =	vst v63  }
0x6d: {  	_ =	swait.ge [sflag:s1], $0x4000  }
0x6e: {  	[sflag:s1] =	ssyncset.done $0x0  }
0x6f: {  	s5 =	sadd.s32 $0x18080, s29;
	[sflag:s1] =	ssyncadd.s32 $0xFFFFC000  }
0x70: {  	[spmem:s2] =	stream.indirect.scatter.add.f32 [tilespmem:s22], [sflag:$0x9], $0x80, s5, s31, $0xb8;
	[tilespmem:$0x1BC00] =	vst v63  }
0x71: {  	_ =	swait.ge [sflag:s0], $0x4000  }
0x72: {  	[sflag:s0] =	ssyncset.done $0x0  }
0x73: {  	s5 =	sadd.s32 $0x18100, s29;
	[sflag:s0] =	ssyncadd.s32 $0xFFFFC000  }
0x74: {  	[spmem:s2] =	stream.indirect.scatter.add.f32 [tilespmem:s23], [sflag:$0xA], $0x80, s5, s31, $0xb8;
	[tilespmem:$0x1BC00] =	vst v63  }
0x75: {  	_ =	swait.ge [sflag:s19], $0x4000  }
0x76: {  	[sflag:s19] =	ssyncset.done $0x0  }
0x77: {  	s5 =	sadd.s32 $0x18180, s29;
	[sflag:s19] =	ssyncadd.s32 $0xFFFFC000  }
0x78: {  	[spmem:s2] =	stream.indirect.scatter.add.f32 [tilespmem:s25], [sflag:$0xB], $0x80, s5, s31, $0xb8;
	[tilespmem:$0x1BC00] =	vst v63  }
0x79: {  	_ =	swait.ge [sflag:s20], $0x4000  }
0x7a: {  	[sflag:s20] =	ssyncset.done $0x0  }
0x7b: {  	s5 =	sadd.s32 $0x18200, s29;
	[sflag:s20] =	ssyncadd.s32 $0xFFFFC000  }
0x7c: {  	[spmem:s2] =	stream.indirect.scatter.add.f32 [tilespmem:s26], [sflag:$0xC], $0x80, s5, s31, $0xb8;
	[tilespmem:$0x1BC00] =	vst v63  }
0x7d: {  	_ =	swait.ge [sflag:s4], $0x4000  }
0x7e: {  	[sflag:s4] =	ssyncset.done $0x0  }
0x7f: {  	s29 =	sadd.s32 $0x18280, s29;
	[sflag:s4] =	ssyncadd.s32 $0xFFFFC000  }
0x80: {  	[spmem:s2] =	stream.indirect.scatter.add.f32 [tilespmem:s28], [sflag:$0xD], $0x80, s29, s31, $0xb8;
	[tilespmem:$0x1BC00] =	vst v63  }
0x81: {  	_ =	swait.ge [sflag:s6], $0x4000  }
0x82: {  	p0 =	seq.s32 s13, $0x6000;
	[sflag:s6] =	ssyncset.done $0x0  }
.Ltmp3:
0x83: {  	[sflag:s6] =	ssyncadd.s32 $0xFFFFC000;
	(pc) =	sbr.rel @p0 .LBB2_6-.Ltmp3, $4  }
0x84: {  	[tilespmem:s3], [sflag:$0x1] =	stream.linear.gather [hbm4b:s18+s3], $0x4000, $0x38;
	[tilespmem:$0x1BC00] =	vst v63  }
0x85: {  	_ =	swait.ge [sflag:s7], $0x4000  }
0x86: {  	[sflag:s7] =	ssyncset.done $0x0  }
0x87: {  	[sflag:s7] =	ssyncadd.s32 $0xFFFFC000  }
0x88: {  	[tilespmem:s22], [sflag:$0x2] =	stream.linear.gather [hbm4b:s17+s3], $0x4000, $0x38;
	[tilespmem:$0x1BC00] =	vst v63  }
0x89: {  	_ =	swait.ge [sflag:s8], $0x4000  }
0x8a: {  	[sflag:s8] =	ssyncset.done $0x0  }
0x8b: {  	[sflag:s8] =	ssyncadd.s32 $0xFFFFC000  }
0x8c: {  	[tilespmem:s23], [sflag:$0x3] =	stream.linear.gather [hbm4b:s16+s3], $0x4000, $0x38;
	[tilespmem:$0x1BC00] =	vst v63  }
0x8d: {  	_ =	swait.ge [sflag:s9], $0x4000  }
0x8e: {  	[sflag:s9] =	ssyncset.done $0x0  }
0x8f: {  	[sflag:s9] =	ssyncadd.s32 $0xFFFFC000  }
0x90: {  	[tilespmem:s25], [sflag:$0x4] =	stream.linear.gather [hbm4b:s15+s3], $0x4000, $0x38;
	[tilespmem:$0x1BC00] =	vst v63  }
0x91: {  	_ =	swait.ge [sflag:s10], $0x4000  }
0x92: {  	[sflag:s10] =	ssyncset.done $0x0  }
0x93: {  	[sflag:s10] =	ssyncadd.s32 $0xFFFFC000  }
0x94: {  	[tilespmem:s26], [sflag:$0x5] =	stream.linear.gather [hbm4b:s14+s3], $0x4000, $0x38;
	[tilespmem:$0x1BC00] =	vst v63  }
.Ltmp4:
0x95: {  	_ =	swait.ge [sflag:s11], $0x4000;
	(pc) =	sbr.rel .LBB2_4-.Ltmp4, $4  }
0x96: {  	s13 =	sadd.s32 $0xC00, s13;
	s17 =	sadd.s32 $0x3000, s17;
	[sflag:s11] =	ssyncset.done $0x0  }
0x97: {  	s18 =	sadd.s32 $0x3000, s18;
	s16 =	sadd.s32 $0x3000, s16;
	[sflag:s11] =	ssyncadd.s32 $0xFFFFC000  }
0x98: {  	[tilespmem:s28], [sflag:$0x6] =	stream.linear.gather [hbm4b:s24+s3], $0x4000, $0x38;
	[tilespmem:$0x1BC00] =	vst v63  }
0x99: {  	s15 =	sadd.s32 $0x3000, s15;
	s14 =	sadd.s32 $0x3000, s14;
	s24 =	sadd.s32 $0x3000, s24  }
.LBB2_7:
0x9a: {  	_ =	sfence.sel $0x180000  }
0x9b: {  	[bflag:$0x0] =	sbarrier.arrive $0xFFFF  }
0x9c: {  	_ =	strace $0x90000047  }
0x9d: {  	s0 =	stileid.u32;
	[bflag:$0x2] =	sbarrier.arrive $0xFFFF  }
0x9e: {  	p0 =	sne.s32 s0, $0x0;
	s0 =	rddreg [dreg:$0x3]  }
0x9f: {  	s0 =	sadd.s32 @!p0 $0x100000, s0  }
0xa0: {  	[sflag:s0] =	ssyncadd.tile.s32 @!p0 $0x1;
	_ =	shalt  }
.Lfunc_end2:
_tile_overlayer_lowered:
.L_overlay_start_2:
0xa1: {  	(tag) =	ssettag $0x2  }
0xa2: {  	s0 =	rddreg [dreg:$0x0];
	s2 =	stileid.u32  }
0xa3: {  	s1 =	rddreg [dreg:$0x1];
	p0 =	sne.s32 s2, $0x0  }
0xa4: {  	s3 =	rddreg [dreg:$0x2];
	[bflag:$0x3] =	sbarrier.arrive $0xFFFF;
	s2 =	simm.s32 @!p0 $0x1C0E  }
0xa5: {  	[timem:s3], [sflag:s2] =	dma.local @!p0 [hbm:s0], s1  }
0xa6: {  	s0 =	simm.s32 @!p0 $0xE  }
0xa7: {  	_ =	swait.ge @!p0 [sflag:s0], s1  }
0xa8: {  	s1 =	ssub.s32 @!p0 $0x0, s1;
	[sflag:s0] =	ssyncset.done @!p0 $0x0  }
0xa9: {  	[sflag:s0] =	ssyncadd.s32 @!p0 s1  }
0xaa: {  	[bflag:$0x3] =	sbarrier.arrive $0xFFFF  }
0xab: {  	_ =	shalt  }

</sc_bundles>
